<compile_context>
chip_gen: v7x
topology: tpu7x:2x2x1
jax: 0.10.2.dev20260603
libtpu: 0.0.44.dev20260713+nightly
codegen_flags: <defaults>
</compile_context>

<pallas_src>
import functools

import jax
import jax.numpy as jnp
import numpy as np
from jax import lax
from jax.experimental import pallas as pl
from jax.experimental.pallas import tpu as pltpu
from jax.experimental.pallas import tpu_sc as plsc

EPSBN = 1e-5
N = 200
F = 200
H = 256
NGRAPH = 8
TRI = N * (N - 1) // 2
D1 = TRI + 3 * H
KB = 2688
NBLK = 8
DPAD = KB * NBLK
HOFF = TRI - (NBLK - 1) * KB

_rows, _cols = np.triu_indices(N, k=1)
_TRIU_FLAT = (_rows * N + _cols).astype(np.int32)

_PREC = jax.lax.Precision.HIGHEST


def _mmbf(a, b):
    return lax.dot_general(
        a, b, (((1,), (0,)), ((), ())),
        precision=jax.lax.Precision.DEFAULT,
        preferred_element_type=jnp.float32)


_NW = 32
_WPG = _NW // NGRAPH
_PERW = 4976
_CPAD = 4992
_UNROLL = 4
_ROW_LO = [int(_rows[q * _PERW]) for q in range(_WPG)]
_ROW_HI = [int(_rows[min((q + 1) * _PERW, TRI) - 1]) for q in range(_WPG)]
_SPAN = max(hi - lo + 1 for lo, hi in zip(_ROW_LO, _ROW_HI)) * F
_idx_pw = np.zeros((_NW, _CPAD), np.int32)
for _w in range(_NW):
    _b, _q = _w // _WPG, _w % _WPG
    _seg = _TRIU_FLAT[_q * _PERW:min((_q + 1) * _PERW, TRI)] - _ROW_LO[_q] * F
    _idx_pw[_w, :len(_seg)] = _seg
_IDX_PW = _idx_pw


def _sc_gather_body(nf_hbm, idx_hbm, out_hbm, table_v, idx_v, vals_v):
    nc = plsc.get_sparse_core_info().num_cores
    wid = lax.axis_index("s") * nc + lax.axis_index("c")
    b = wid // _WPG
    q = wid % _WPG
    r0 = jnp.where(q == 0, _ROW_LO[0],
                   jnp.where(q == 1, _ROW_LO[1],
                             jnp.where(q == 2, _ROW_LO[2], _ROW_LO[3])))
    pltpu.sync_copy(nf_hbm.at[pl.ds(b * (N * F) + r0 * F, _SPAN)], table_v)
    pltpu.sync_copy(idx_hbm.at[wid], idx_v)

    def step(i, _):
        for u in range(_UNROLL):
            o = i * (16 * _UNROLL) + u * 16
            iv = idx_v[pl.ds(o, 16)]
            vals_v[pl.ds(o, 16)] = plsc.load_gather(table_v, [iv])
        return 0

    lax.fori_loop(0, _CPAD // (16 * _UNROLL), step, 0)
    pltpu.sync_copy(vals_v.at[pl.ds(0, _PERW)],
                    out_hbm.at[pl.ds(b * DPAD + q * _PERW, _PERW)])


def _run_sc_gather(nf_flat):
    mesh = plsc.VectorSubcoreMesh(core_axis_name="c", subcore_axis_name="s")
    fn = functools.partial(
        pl.kernel, mesh=mesh,
        out_type=jax.ShapeDtypeStruct((NGRAPH * DPAD,), jnp.float32),
        compiler_params=pltpu.CompilerParams(needs_layout_passes=False),
        scratch_types=[
            pltpu.VMEM((_SPAN,), jnp.float32),
            pltpu.VMEM((_CPAD,), jnp.int32),
            pltpu.VMEM((_CPAD,), jnp.float32),
        ],
    )(_sc_gather_body)
    return fn(nf_flat.reshape(-1), jnp.asarray(_IDX_PW)).reshape(NGRAPH, DPAD)



def _bn_relu(y, g, bt):
    mu = jnp.mean(y, axis=0, keepdims=True)
    var = jnp.mean((y - mu) ** 2, axis=0, keepdims=True)
    return jnp.maximum((y - mu) * lax.rsqrt(var + EPSBN) * g + bt, 0.0)


NSTEP = NBLK // 2


def _fused_body(m_ref, nf_ref, w0_ref, w1_ref, w2_ref, b0_ref, b1_ref, b2_ref,
                z_ref, g_ref, bt_ref, bnhg_ref, bnhb_ref, wm1a_ref, wm1b_ref,
                bm1_ref, g1_ref, be1_ref, wm2_ref, bm2_ref, g2_ref, be2_ref,
                wm3_ref, bm3_ref, g3_ref, be3_ref, wm4_ref, bm4_ref, out_ref,
                h_ref, acc_ref):
    i = pl.program_id(0)

    for sub in range(2):
        mb = m_ref[sub]
        a = jnp.where(mb != 0, 1.0, 0.0).astype(jnp.float32)
        rr = lax.broadcasted_iota(jnp.int32, (N, N), 0)
        cc = lax.broadcasted_iota(jnp.int32, (N, N), 1)
        bmat = a + jnp.where(rr == cc, 1.0, 0.0)
        deg = jnp.sum(bmat, axis=0)
        dinv = jnp.where(deg > 0, lax.rsqrt(deg), 0.0)
        x = nf_ref[sub]
        offs = 0
        for w_ref, b_ref in ((w0_ref, b0_ref), (w1_ref, b1_ref), (w2_ref, b2_ref)):
            xw = _mmbf(x, w_ref[...])
            y = xw * dinv[:, None]
            yh = y.astype(jnp.bfloat16).astype(jnp.float32)
            yl = y - yh
            dn = (((0,), (0,)), ((), ()))
            agg = (lax.dot_general(bmat, yh, dn,
                                   precision=jax.lax.Precision.DEFAULT,
                                   preferred_element_type=jnp.float32)
                   + lax.dot_general(bmat, yl, dn,
                                     precision=jax.lax.Precision.DEFAULT,
                                     preferred_element_type=jnp.float32))
            x = jnp.tanh(agg * dinv[:, None] + b_ref[...])
            h_ref[pl.ds(2 * i + sub, 1), offs:offs + H] = (
                jnp.sum(x, axis=0) / float(N)).reshape(1, H)
            offs += H

    z = z_ref[...]
    col = lax.broadcasted_iota(jnp.int32, (NGRAPH, 2 * KB), 1) + i * (2 * KB)
    mu = jnp.mean(z, axis=0, keepdims=True)
    var = jnp.mean((z - mu) ** 2, axis=0, keepdims=True)
    zbn = (z - mu) * lax.rsqrt(var + EPSBN) * g_ref[...] + bt_ref[...]
    zbn = jnp.where(col < TRI, zbn, 0.0)
    rowb = lax.broadcasted_iota(jnp.int32, (KB, 512), 0) + (2 * i + 1) * KB
    wa = wm1a_ref[...]
    wb = jnp.where(rowb < D1, wm1b_ref[...], 0.0)
    part = _mmbf(zbn[:, :KB], wa) + _mmbf(zbn[:, KB:], wb)

    @pl.when(i == 0)
    def _init():
        acc_ref[...] = part

    @pl.when(i > 0)
    def _acc():
        acc_ref[...] = acc_ref[...] + part

    @pl.when(i == NSTEP - 1)
    def _finish():
        hmat = h_ref[...]
        hmu = jnp.mean(hmat, axis=0, keepdims=True)
        hvar = jnp.mean((hmat - hmu) ** 2, axis=0, keepdims=True)
        hbn = (hmat - hmu) * lax.rsqrt(hvar + EPSBN) * bnhg_ref[...] + bnhb_ref[...]
        wh = wm1b_ref[HOFF:HOFF + 3 * H, :]
        y = acc_ref[...] + _mmbf(hbn, wh) + bm1_ref[...]
        y = _bn_relu(y, g1_ref[...], be1_ref[...])
        y = _bn_relu(_mmbf(y, wm2_ref[...]) + bm2_ref[...], g2_ref[...], be2_ref[...])
        y = _bn_relu(_mmbf(y, wm3_ref[...]) + bm3_ref[...], g3_ref[...], be3_ref[...])
        out_ref[...] = _mmbf(y, wm4_ref[...]) + bm4_ref[...]


def _run_fused(m, nf, w0, b0, w1, b1, w2, b2, z, g, bt, bnhg, bnhb,
               wm1, bm1, g1, be1, wm2, bm2, g2, be2, wm3, bm3, g3, be3, wm4, bm4):
    full = lambda shape: pl.BlockSpec(shape, lambda k: tuple(0 for _ in shape))
    return pl.pallas_call(
        _fused_body,
        grid=(NSTEP,),
        in_specs=[
            pl.BlockSpec((2, N, N), lambda k: (k, 0, 0)),
            pl.BlockSpec((2, N, F), lambda k: (k, 0, 0)),
            full((F, H)), full((H, H)), full((H, H)),
            full((1, H)), full((1, H)), full((1, H)),
            pl.BlockSpec((NGRAPH, 2 * KB), lambda k: (0, k)),
            pl.BlockSpec((1, 2 * KB), lambda k: (0, k)),
            pl.BlockSpec((1, 2 * KB), lambda k: (0, k)),
            full((1, 3 * H)), full((1, 3 * H)),
            pl.BlockSpec((KB, 512), lambda k: (2 * k, 0)),
            pl.BlockSpec((KB, 512), lambda k: (2 * k + 1, 0)),
            full((1, 512)), full((1, 512)), full((1, 512)),
            full((512, 256)), full((1, 256)), full((1, 256)), full((1, 256)),
            full((256, 256)), full((1, 256)), full((1, 256)), full((1, 256)),
            full((256, 2)), full((1, 2)),
        ],
        out_specs=pl.BlockSpec((NGRAPH, 2), lambda k: (0, 0)),
        out_shape=jax.ShapeDtypeStruct((NGRAPH, 2), jnp.float32),
        scratch_shapes=[pltpu.VMEM((NGRAPH, 3 * H), jnp.float32),
                        pltpu.VMEM((NGRAPH, 512), jnp.float32)],
    )(m, nf, w0, w1, w2, b0.reshape(1, H), b1.reshape(1, H), b2.reshape(1, H),
      z, g, bt, bnhg.reshape(1, 3 * H), bnhb.reshape(1, 3 * H),
      wm1, wm1, bm1.reshape(1, 512), g1.reshape(1, 512), be1.reshape(1, 512),
      wm2, bm2.reshape(1, 256), g2.reshape(1, 256), be2.reshape(1, 256),
      wm3, bm3.reshape(1, 256), g3.reshape(1, 256), be3.reshape(1, 256),
      wm4, bm4.reshape(1, 2))


def kernel(m, node_feature, W0, b0, W1, b1, W2, b2, bn_g, bn_b, bnh_g, bnh_b,
           Wm1, bm1, g1, be1, Wm2, bm2, g2, be2, Wm3, bm3, g3, be3, Wm4, bm4):
    nf_flat = node_feature.reshape(NGRAPH, N * F)
    z = _run_sc_gather(nf_flat)
    g = jnp.pad(bn_g, (0, DPAD - TRI)).reshape(1, DPAD)
    bt = jnp.pad(bn_b, (0, DPAD - TRI)).reshape(1, DPAD)
    return _run_fused(m, node_feature, W0, b0, W1, b1, W2, b2, z, g, bt,
                      bnh_g, bnh_b, Wm1, bm1, g1, be1, Wm2, bm2, g2, be2,
                      Wm3, bm3, g3, be3, Wm4, bm4)

# --- scband reference (transcript-rebuilt; emitter-appended) ---
"""Pipeline reference for scband-neurograph-10256381903278 (READ-ONLY COPY).

The authoritative reference and input builder live on the scoring server;
editing this copy changes nothing except your own understanding.
"""

import jax, jax.numpy as jnp
import numpy as np

EPS = 1e-5

def batchnorm(x, gamma, beta):
    mu = jnp.mean(x, axis=0)
    var = jnp.var(x, axis=0)
    return (x - mu) / jnp.sqrt(var + EPS) * gamma + beta

def gcn_conv(x, src, dst, w, W, b, n):
    loop = jnp.arange(n, dtype=src.dtype)
    s = jnp.concatenate([src, loop])
    d = jnp.concatenate([dst, loop])
    wc = jnp.concatenate([w, jnp.ones((n,), x.dtype)])
    xw = x @ W
    deg = jnp.zeros((n,), x.dtype).at[d].add(wc)
    dinv = jnp.where(deg > 0, deg ** -0.5, 0.0)
    norm = dinv[s] * dinv[d] * wc
    msg = xw[s] * norm[:, None]
    out = jax.ops.segment_sum(msg, d, num_segments=n)
    return out + b

def setup_inputs(seed: int = 0):
    key = jax.random.key(seed)
    ks = jax.random.split(key, 12)
    B, N, F = 8, 200, 200
    H, L, HID = 256, 3, 512
    tri = int(N * N / 2 - N / 2)
    d1 = tri + H * L
    m = jax.random.normal(ks[0], (B, N, N), dtype=jnp.float32)
    node_feature = jax.random.normal(ks[1], (B, N, F), dtype=jnp.float32)
    def lin(k, fi, fo):
        lim = 1.0 / np.sqrt(fi)
        return jax.random.uniform(k, (fi, fo), jnp.float32, -lim, lim)
    return {
        'm': m, 'node_feature': node_feature,
        'W0': lin(ks[2], F, H), 'b0': jnp.zeros((H,), jnp.float32),
        'W1': lin(ks[3], H, H), 'b1': jnp.zeros((H,), jnp.float32),
        'W2': lin(ks[4], H, H), 'b2': jnp.zeros((H,), jnp.float32),
        'bn_g': jnp.ones((tri,), jnp.float32), 'bn_b': jnp.zeros((tri,), jnp.float32),
        'bnh_g': jnp.ones((H * L,), jnp.float32), 'bnh_b': jnp.zeros((H * L,), jnp.float32),
        'Wm1': lin(ks[5], d1, HID), 'bm1': jnp.zeros((HID,), jnp.float32),
        'g1': jnp.ones((HID,), jnp.float32), 'be1': jnp.zeros((HID,), jnp.float32),
        'Wm2': lin(ks[6], HID, HID // 2), 'bm2': jnp.zeros((HID // 2,), jnp.float32),
        'g2': jnp.ones((HID // 2,), jnp.float32), 'be2': jnp.zeros((HID // 2,), jnp.float32),
        'Wm3': lin(ks[7], HID // 2, HID // 2), 'bm3': jnp.zeros((HID // 2,), jnp.float32),
        'g3': jnp.ones((HID // 2,), jnp.float32), 'be3': jnp.zeros((HID // 2,), jnp.float32),
        'Wm4': lin(ks[8], HID // 2, 2), 'bm4': jnp.zeros((2,), jnp.float32),
    }

def reference(m, node_feature, W0, b0, W1, b1, W2, b2, bn_g, bn_b, bnh_g, bnh_b,
              Wm1, bm1, g1, be1, Wm2, bm2, g2, be2, Wm3, bm3, g3, be3, Wm4, bm4):
    B, N, F = node_feature.shape
    n_total = B * N
    x = node_feature.reshape(-1, F)
    # transform_data: all candidate edges in row-major order, weighted by (m != 0)
    base = (jnp.arange(B, dtype=jnp.int32) * N)[:, None]
    rr = jnp.repeat(jnp.arange(N, dtype=jnp.int32), N)
    cc = jnp.tile(jnp.arange(N, dtype=jnp.int32), N)
    src = (rr[None, :] + base).reshape(-1)
    dst = (cc[None, :] + base).reshape(-1)
    w = (m != 0).astype(x.dtype).reshape(-1)
    batch = jnp.repeat(jnp.arange(B, dtype=jnp.int32), N)
    xs = [x]
    for (W, bb) in ((W0, b0), (W1, b1), (W2, b2)):
        xs.append(jnp.tanh(gcn_conv(xs[-1], src, dst, w, W, bb, n_total)))
    # i == 0 branch: upper-triangular flatten of original features + BN
    rows, cols = jnp.triu_indices(N, k=1)  # has_self_loop=False -> offset 1
    x0 = x.reshape(B, F, -1)[:, rows, cols]
    x0 = batchnorm(x0, bn_g, bn_b)
    # mean aggregation per graph for each conv output
    h = []
    cnt = jax.ops.segment_sum(jnp.ones((n_total,), x.dtype), batch, num_segments=B)
    for xx in xs[1:]:
        s = jax.ops.segment_sum(xx, batch, num_segments=B)
        h.append(s / cnt[:, None])
    h = jnp.concatenate(h, axis=1)
    h = batchnorm(h, bnh_g, bnh_b)
    z = jnp.concatenate([x0, h], axis=1)  # has_residual=True
    # MLP (dropout = identity in eval)
    z = jax.nn.relu(batchnorm(z @ Wm1 + bm1, g1, be1))
    z = jax.nn.relu(batchnorm(z @ Wm2 + bm2, g2, be2))
    z = jax.nn.relu(batchnorm(z @ Wm3 + bm3, g3, be3))
    z = z @ Wm4 + bm4
    return z

if __name__ == "__main__":
    import jax
    _d = setup_inputs()
    print(jax.jit(kernel)(*tuple(_d.values())))

</pallas_src>

<mosaic_0001>
#map = affine_map<(d0, d1) -> (0)>
#map1 = affine_map<(d0, d1) -> (0, 0)>
module attributes {stable_mosaic.version = 14 : i64} {
  func.func @_sc_gather_body(%arg0: i32, %arg1: i32, %arg2: memref<320000xf32, #tpu.memory_space<hbm>>, %arg3: memref<32x4992xi32, #tpu.memory_space<hbm>>, %arg4: memref<172032xf32, #tpu.memory_space<hbm>>, %arg5: memref<20000xf32, #tpu.memory_space<vmem>>, %arg6: memref<4992xi32, #tpu.memory_space<vmem>>, %arg7: memref<4992xf32, #tpu.memory_space<vmem>>) attributes {dimension_semantics = [#tpu.dimension_semantics<core_parallel>, #tpu.dimension_semantics<subcore_parallel>], iteration_bounds = array<i64: 2, 16>, scalar_prefetch = 0 : i64, scratch_operands = 3 : i64, tpu.core_type = #tpu.core_type<sc_vector_subcore>, window_params = [{transform_indices = #map}, {transform_indices = #map1}, {transform_indices = #map}]} {
    %mul3A = arith.constant 2 : i32
    %mul3A_0 = arith.muli %arg1, %mul3A : i32
    %add3A = arith.addi %mul3A_0, %arg0 : i32
    %jit3A = arith.constant 4 : i32
    %div3A = arith.divsi %add3A, %jit3A : i32
    %sign3A = arith.constant 0 : i32
    %sign3A_1 = arith.cmpi sgt, %add3A, %sign3A : i32
    %sign3A_2 = arith.extui %sign3A_1 : i1 to i32
    %sign3A_3 = arith.constant 0 : i32
    %sign3A_4 = arith.cmpi slt, %add3A, %sign3A_3 : i32
    %sign3A_5 = arith.extui %sign3A_4 : i1 to i32
    %sign3A_6 = arith.subi %sign3A_2, %sign3A_5 : i32
    %sign3A_7 = arith.constant 0 : i32
    %sign3A_8 = arith.cmpi sgt, %jit3A, %sign3A_7 : i32
    %sign3A_9 = arith.extui %sign3A_8 : i1 to i32
    %sign3A_10 = arith.constant 0 : i32
    %sign3A_11 = arith.cmpi slt, %jit3A, %sign3A_10 : i32
    %sign3A_12 = arith.extui %sign3A_11 : i1 to i32
    %sign3A_13 = arith.subi %sign3A_9, %sign3A_12 : i32
    %ne3A = arith.cmpi ne, %sign3A_6, %sign3A_13 : i32
    %rem3A = arith.remsi %add3A, %jit3A : i32
    %ne3A_14 = arith.constant 0 : i32
    %ne3A_15 = arith.cmpi ne, %rem3A, %ne3A_14 : i32
    %and3A = arith.andi %ne3A, %ne3A_15 : i1
    %sub3A = arith.constant 1 : i32
    %sub3A_16 = arith.subi %div3A, %sub3A : i32
    %select_n3A = arith.select %and3A, %sub3A_16, %div3A : i32
    %jit3A_17 = arith.constant 4 : i32
    %eq3A = arith.constant 0 : i32
    %eq3A_18 = arith.cmpi eq, %jit3A_17, %eq3A : i32
    %jit3A_19 = arith.constant 1 : i32
    %select_n3A_20 = arith.select %eq3A_18, %jit3A_19, %jit3A_17 : i32
    %rem3A_21 = arith.remsi %add3A, %select_n3A_20 : i32
    %ne3A_22 = arith.constant 0 : i32
    %ne3A_23 = arith.cmpi ne, %rem3A_21, %ne3A_22 : i32
    %lt3A = arith.constant 0 : i32
    %lt3A_24 = arith.cmpi slt, %rem3A_21, %lt3A : i32
    %lt3A_25 = arith.constant 0 : i32
    %lt3A_26 = arith.cmpi slt, %select_n3A_20, %lt3A_25 : i32
    %ne3A_27 = arith.xori %lt3A_24, %lt3A_26 : i1
    %and3A_28 = arith.andi %ne3A_27, %ne3A_23 : i1
    %add3A_29 = arith.addi %rem3A_21, %select_n3A_20 : i32
    %select_n3A_30 = arith.select %and3A_28, %add3A_29, %rem3A_21 : i32
    %eq3A_31 = arith.constant 0 : i32
    %eq3A_32 = arith.cmpi eq, %select_n3A_30, %eq3A_31 : i32
    %eq3A_33 = arith.constant 1 : i32
    %eq3A_34 = arith.cmpi eq, %select_n3A_30, %eq3A_33 : i32
    %eq3A_35 = arith.constant 2 : i32
    %eq3A_36 = arith.cmpi eq, %select_n3A_30, %eq3A_35 : i32
    %jit3A_37 = arith.constant 58 : i32
    %jit3A_38 = arith.constant 99 : i32
    %select_n3A_39 = arith.select %eq3A_36, %jit3A_37, %jit3A_38 : i32
    %jit3A_40 = arith.constant 26 : i32
    %select_n3A_41 = arith.select %eq3A_34, %jit3A_40, %select_n3A_39 : i32
    %jit3A_42 = arith.constant 0 : i32
    %select_n3A_43 = arith.select %eq3A_32, %jit3A_42, %select_n3A_41 : i32
    %mul3A_44 = arith.constant 40000 : i32
    %mul3A_45 = arith.muli %select_n3A, %mul3A_44 : i32
    %mul3A_46 = arith.constant 200 : i32
    %mul3A_47 = arith.muli %select_n3A_43, %mul3A_46 : i32
    %add3A_48 = arith.addi %mul3A_45, %mul3A_47 : i32
    "tpu.region"() ({
      %run_scoped3A = tpu.sem_alloc : memref<!tpu.dma_semaphore, #tpu.memory_space<semaphore_mem>>
      %dma_start3A = tpu.memref_slice %arg2[%add3A_48] : memref<320000xf32, #tpu.memory_space<hbm>> -> memref<20000xf32, #tpu.memory_space<hbm>>
      %dma_start3A_60 = tpu.memref_slice %arg2[%add3A_48] : memref<320000xf32, #tpu.memory_space<hbm>> -> memref<20000xf32, #tpu.memory_space<hbm>>
      tpu.enqueue_dma source(%dma_start3A_60 : memref<20000xf32, #tpu.memory_space<hbm>>) target(%arg5 : memref<20000xf32, #tpu.memory_space<vmem>>) target_semaphore(%run_scoped3A : memref<!tpu.dma_semaphore, #tpu.memory_space<semaphore_mem>>)
      %dma_wait3A = tpu.memref_slice %arg2[%add3A_48] : memref<320000xf32, #tpu.memory_space<hbm>> -> memref<20000xf32, #tpu.memory_space<hbm>>
      %dma_wait3A_61 = tpu.memref_slice %arg2[%add3A_48] : memref<320000xf32, #tpu.memory_space<hbm>> -> memref<20000xf32, #tpu.memory_space<hbm>>
      tpu.wait_dma2 semaphore(%run_scoped3A : memref<!tpu.dma_semaphore, #tpu.memory_space<semaphore_mem>>) src(%dma_wait3A_61 : memref<20000xf32, #tpu.memory_space<hbm>>) dst(%arg5 : memref<20000xf32, #tpu.memory_space<vmem>>)
      tpu.yield
    }) : () -> ()
    "tpu.region"() ({
      %run_scoped3A = tpu.sem_alloc : memref<!tpu.dma_semaphore, #tpu.memory_space<semaphore_mem>>
      %dma_start3A = arith.constant 0 : i32
      %dma_start3A_60 = tpu.memref_slice %arg3[%add3A, %dma_start3A] : memref<32x4992xi32, #tpu.memory_space<hbm>> -> memref<1x4992xi32, #tpu.memory_space<hbm>>
      %dma_start3A_61 = tpu.memref_squeeze %dma_start3A_60 : memref<1x4992xi32, #tpu.memory_space<hbm>> -> memref<4992xi32, #tpu.memory_space<hbm>>
      %dma_start3A_62 = arith.constant 0 : i32
      %dma_start3A_63 = tpu.memref_slice %arg3[%add3A, %dma_start3A_62] : memref<32x4992xi32, #tpu.memory_space<hbm>> -> memref<1x4992xi32, #tpu.memory_space<hbm>>
      %dma_start3A_64 = tpu.memref_squeeze %dma_start3A_63 : memref<1x4992xi32, #tpu.memory_space<hbm>> -> memref<4992xi32, #tpu.memory_space<hbm>>
      tpu.enqueue_dma source(%dma_start3A_64 : memref<4992xi32, #tpu.memory_space<hbm>>) target(%arg6 : memref<4992xi32, #tpu.memory_space<vmem>>) target_semaphore(%run_scoped3A : memref<!tpu.dma_semaphore, #tpu.memory_space<semaphore_mem>>)
      %dma_wait3A = arith.constant 0 : i32
      %dma_wait3A_65 = tpu.memref_slice %arg3[%add3A, %dma_wait3A] : memref<32x4992xi32, #tpu.memory_space<hbm>> -> memref<1x4992xi32, #tpu.memory_space<hbm>>
      %dma_wait3A_66 = tpu.memref_squeeze %dma_wait3A_65 : memref<1x4992xi32, #tpu.memory_space<hbm>> -> memref<4992xi32, #tpu.memory_space<hbm>>
      %dma_wait3A_67 = arith.constant 0 : i32
      %dma_wait3A_68 = tpu.memref_slice %arg3[%add3A, %dma_wait3A_67] : memref<32x4992xi32, #tpu.memory_space<hbm>> -> memref<1x4992xi32, #tpu.memory_space<hbm>>
      %dma_wait3A_69 = tpu.memref_squeeze %dma_wait3A_68 : memref<1x4992xi32, #tpu.memory_space<hbm>> -> memref<4992xi32, #tpu.memory_space<hbm>>
      tpu.wait_dma2 semaphore(%run_scoped3A : memref<!tpu.dma_semaphore, #tpu.memory_space<semaphore_mem>>) src(%dma_wait3A_69 : memref<4992xi32, #tpu.memory_space<hbm>>) dst(%arg6 : memref<4992xi32, #tpu.memory_space<vmem>>)
      tpu.yield
    }) : () -> ()
    %scan3A = arith.constant 0 : i32
    %scan3A_49 = arith.constant 0 : i32
    %scan3A_50 = arith.constant 78 : i32
    %scan3A_51 = arith.addi %scan3A_49, %scan3A_50 : i32
    %scan3A_52 = arith.constant 1 : i32
    %scan3A_53 = scf.for %scan3A_60 = %scan3A_49 to %scan3A_51 step %scan3A_52 iter_args(%scan3A_61 = %scan3A) -> (i32)  : i32 {
      %mul3A_62 = arith.constant 64 : i32
      %mul3A_63 = arith.muli %scan3A_60, %mul3A_62 : i32
      %add3A_64 = arith.constant 0 : i32
      %add3A_65 = arith.addi %mul3A_63, %add3A_64 : i32
      %get3A = arith.index_cast %add3A_65 : i32 to index
      %get3A_66 = tpu.vector_load %arg6[%get3A] {strides = array<i32>} : memref<4992xi32, #tpu.memory_space<vmem>>, vector<16xi32>,
      %gather3A = tpu.vector_load_idx %arg5[%get3A_66] : memref<20000xf32, #tpu.memory_space<vmem>>[vector<16xi32>], vector<16xf32>,
      %swap3A = arith.index_cast %add3A_65 : i32 to index
      %swap3A_67 = tpu.vector_load %arg7[%swap3A] {strides = array<i32>} : memref<4992xf32, #tpu.memory_space<vmem>>, vector<16xf32>,
      tpu.vector_store %arg7[%swap3A], %gather3A {strides = array<i32>} : memref<4992xf32, #tpu.memory_space<vmem>>, vector<16xf32>,
      %mul3A_68 = arith.constant 64 : i32
      %mul3A_69 = arith.muli %scan3A_60, %mul3A_68 : i32
      %add3A_70 = arith.constant 16 : i32
      %add3A_71 = arith.addi %mul3A_69, %add3A_70 : i32
      %get3A_72 = arith.index_cast %add3A_71 : i32 to index
      %get3A_73 = tpu.vector_load %arg6[%get3A_72] {strides = array<i32>} : memref<4992xi32, #tpu.memory_space<vmem>>, vector<16xi32>,
      %gather3A_74 = tpu.vector_load_idx %arg5[%get3A_73] : memref<20000xf32, #tpu.memory_space<vmem>>[vector<16xi32>], vector<16xf32>,
      %swap3A_75 = arith.index_cast %add3A_71 : i32 to index
      %swap3A_76 = tpu.vector_load %arg7[%swap3A_75] {strides = array<i32>} : memref<4992xf32, #tpu.memory_space<vmem>>, vector<16xf32>,
      tpu.vector_store %arg7[%swap3A_75], %gather3A_74 {strides = array<i32>} : memref<4992xf32, #tpu.memory_space<vmem>>, vector<16xf32>,
      %mul3A_77 = arith.constant 64 : i32
      %mul3A_78 = arith.muli %scan3A_60, %mul3A_77 : i32
      %add3A_79 = arith.constant 32 : i32
      %add3A_80 = arith.addi %mul3A_78, %add3A_79 : i32
      %get3A_81 = arith.index_cast %add3A_80 : i32 to index
      %get3A_82 = tpu.vector_load %arg6[%get3A_81] {strides = array<i32>} : memref<4992xi32, #tpu.memory_space<vmem>>, vector<16xi32>,
      %gather3A_83 = tpu.vector_load_idx %arg5[%get3A_82] : memref<20000xf32, #tpu.memory_space<vmem>>[vector<16xi32>], vector<16xf32>,
      %swap3A_84 = arith.index_cast %add3A_80 : i32 to index
      %swap3A_85 = tpu.vector_load %arg7[%swap3A_84] {strides = array<i32>} : memref<4992xf32, #tpu.memory_space<vmem>>, vector<16xf32>,
      tpu.vector_store %arg7[%swap3A_84], %gather3A_83 {strides = array<i32>} : memref<4992xf32, #tpu.memory_space<vmem>>, vector<16xf32>,
      %mul3A_86 = arith.constant 64 : i32
      %mul3A_87 = arith.muli %scan3A_60, %mul3A_86 : i32
      %add3A_88 = arith.constant 48 : i32
      %add3A_89 = arith.addi %mul3A_87, %add3A_88 : i32
      %get3A_90 = arith.index_cast %add3A_89 : i32 to index
      %get3A_91 = tpu.vector_load %arg6[%get3A_90] {strides = array<i32>} : memref<4992xi32, #tpu.memory_space<vmem>>, vector<16xi32>,
      %gather3A_92 = tpu.vector_load_idx %arg5[%get3A_91] : memref<20000xf32, #tpu.memory_space<vmem>>[vector<16xi32>], vector<16xf32>,
      %swap3A_93 = arith.index_cast %add3A_89 : i32 to index
      %swap3A_94 = tpu.vector_load %arg7[%swap3A_93] {strides = array<i32>} : memref<4992xf32, #tpu.memory_space<vmem>>, vector<16xf32>,
      tpu.vector_store %arg7[%swap3A_93], %gather3A_92 {strides = array<i32>} : memref<4992xf32, #tpu.memory_space<vmem>>, vector<16xf32>,
      %scan3A_95 = arith.constant 0 : i32
      scf.yield %scan3A_95 : i32
    }
    %scan3A_54 = arith.constant 78 : i32
    %mul3A_55 = arith.constant 21504 : i32
    %mul3A_56 = arith.muli %select_n3A, %mul3A_55 : i32
    %mul3A_57 = arith.constant 4976 : i32
    %mul3A_58 = arith.muli %select_n3A_30, %mul3A_57 : i32
    %add3A_59 = arith.addi %mul3A_56, %mul3A_58 : i32
    "tpu.region"() ({
      %run_scoped3A = tpu.sem_alloc : memref<!tpu.dma_semaphore, #tpu.memory_space<semaphore_mem>>
      %dma_start3A = arith.constant 0 : i32
      %dma_start3A_60 = tpu.memref_slice %arg7[%dma_start3A] : memref<4992xf32, #tpu.memory_space<vmem>> -> memref<4976xf32, #tpu.memory_space<vmem>>
      %dma_start3A_61 = tpu.memref_slice %arg4[%add3A_59] : memref<172032xf32, #tpu.memory_space<hbm>> -> memref<4976xf32, #tpu.memory_space<hbm>>
      %dma_start3A_62 = tpu.memref_slice %arg4[%add3A_59] : memref<172032xf32, #tpu.memory_space<hbm>> -> memref<4976xf32, #tpu.memory_space<hbm>>
      %dma_start3A_63 = arith.constant 0 : i32
      %dma_start3A_64 = tpu.memref_slice %arg7[%dma_start3A_63] : memref<4992xf32, #tpu.memory_space<vmem>> -> memref<4976xf32, #tpu.memory_space<vmem>>
      tpu.enqueue_dma source(%dma_start3A_64 : memref<4976xf32, #tpu.memory_space<vmem>>) target(%dma_start3A_62 : memref<4976xf32, #tpu.memory_space<hbm>>) target_semaphore(%run_scoped3A : memref<!tpu.dma_semaphore, #tpu.memory_space<semaphore_mem>>)
      %dma_wait3A = arith.constant 0 : i32
      %dma_wait3A_65 = tpu.memref_slice %arg7[%dma_wait3A] : memref<4992xf32, #tpu.memory_space<vmem>> -> memref<4976xf32, #tpu.memory_space<vmem>>
      %dma_wait3A_66 = tpu.memref_slice %arg4[%add3A_59] : memref<172032xf32, #tpu.memory_space<hbm>> -> memref<4976xf32, #tpu.memory_space<hbm>>
      %dma_wait3A_67 = tpu.memref_slice %arg4[%add3A_59] : memref<172032xf32, #tpu.memory_space<hbm>> -> memref<4976xf32, #tpu.memory_space<hbm>>
      %dma_wait3A_68 = arith.constant 0 : i32
      %dma_wait3A_69 = tpu.memref_slice %arg7[%dma_wait3A_68] : memref<4992xf32, #tpu.memory_space<vmem>> -> memref<4976xf32, #tpu.memory_space<vmem>>
      tpu.wait_dma2 semaphore(%run_scoped3A : memref<!tpu.dma_semaphore, #tpu.memory_space<semaphore_mem>>) src(%dma_wait3A_69 : memref<4976xf32, #tpu.memory_space<vmem>>) dst(%dma_wait3A_67 : memref<4976xf32, #tpu.memory_space<hbm>>)
      tpu.yield
    }) : () -> ()
    return
  }
}

module attributes {stable_mosaic.version = 14 : i64} {
  func.func @_fused_body(%arg0: i32, %arg1: memref<2x200x200xf32, #tpu.memory_space<vmem>>, %arg2: memref<2x200x200xf32, #tpu.memory_space<vmem>>, %arg3: memref<200x256xf32, #tpu.memory_space<vmem>>, %arg4: memref<256x256xf32, #tpu.memory_space<vmem>>, %arg5: memref<256x256xf32, #tpu.memory_space<vmem>>, %arg6: memref<1x256xf32, #tpu.memory_space<vmem>>, %arg7: memref<1x256xf32, #tpu.memory_space<vmem>>, %arg8: memref<1x256xf32, #tpu.memory_space<vmem>>, %arg9: memref<8x5376xf32, #tpu.memory_space<vmem>>, %arg10: memref<1x5376xf32, #tpu.memory_space<vmem>>, %arg11: memref<1x5376xf32, #tpu.memory_space<vmem>>, %arg12: memref<1x768xf32, #tpu.memory_space<vmem>>, %arg13: memref<1x768xf32, #tpu.memory_space<vmem>>, %arg14: memref<2688x512xf32, #tpu.memory_space<vmem>>, %arg15: memref<2688x512xf32, #tpu.memory_space<vmem>>, %arg16: memref<1x512xf32, #tpu.memory_space<vmem>>, %arg17: memref<1x512xf32, #tpu.memory_space<vmem>>, %arg18: memref<1x512xf32, #tpu.memory_space<vmem>>, %arg19: memref<512x256xf32, #tpu.memory_space<vmem>>, %arg20: memref<1x256xf32, #tpu.memory_space<vmem>>, %arg21: memref<1x256xf32, #tpu.memory_space<vmem>>, %arg22: memref<1x256xf32, #tpu.memory_space<vmem>>, %arg23: memref<256x256xf32, #tpu.memory_space<vmem>>, %arg24: memref<1x256xf32, #tpu.memory_space<vmem>>, %arg25: memref<1x256xf32, #tpu.memory_space<vmem>>, %arg26: memref<1x256xf32, #tpu.memory_space<vmem>>, %arg27: memref<256x2xf32, #tpu.memory_space<vmem>>, %arg28: memref<1x2xf32, #tpu.memory_space<vmem>>, %arg29: memref<8x2xf32, #tpu.memory_space<vmem>>, %arg30: memref<8x768xf32, #tpu.memory_space<vmem>>, %arg31: memref<8x512xf32, #tpu.memory_space<vmem>>) attributes {dimension_semantics = [#tpu.dimension_semantics<arbitrary>], iteration_bounds = array<i64: 4>, scalar_prefetch = 0 : i64, scratch_operands = 2 : i64, tpu.core_type = #tpu.core_type<tc>, window_params = [{transform_indices = @transform_0, window_bounds = array<i64: 2, 200, 200>}, {transform_indices = @transform_1, window_bounds = array<i64: 2, 200, 200>}, {pipeline_mode = #tpu.pipeline_mode<synchronous>, transform_indices = @transform_2, window_bounds = array<i64: 200, 256>}, {pipeline_mode = #tpu.pipeline_mode<synchronous>, transform_indices = @transform_3, window_bounds = array<i64: 256, 256>}, {pipeline_mode = #tpu.pipeline_mode<synchronous>, transform_indices = @transform_4, window_bounds = array<i64: 256, 256>}, {pipeline_mode = #tpu.pipeline_mode<synchronous>, transform_indices = @transform_5, window_bounds = array<i64: 1, 256>}, {pipeline_mode = #tpu.pipeline_mode<synchronous>, transform_indices = @transform_6, window_bounds = array<i64: 1, 256>}, {pipeline_mode = #tpu.pipeline_mode<synchronous>, transform_indices = @transform_7, window_bounds = array<i64: 1, 256>}, {transform_indices = @transform_8, window_bounds = array<i64: 8, 5376>}, {transform_indices = @transform_9, window_bounds = array<i64: 1, 5376>}, {transform_indices = @transform_10, window_bounds = array<i64: 1, 5376>}, {pipeline_mode = #tpu.pipeline_mode<synchronous>, transform_indices = @transform_11, window_bounds = array<i64: 1, 768>}, {pipeline_mode = #tpu.pipeline_mode<synchronous>, transform_indices = @transform_12, window_bounds = array<i64: 1, 768>}, {transform_indices = @transform_13, window_bounds = array<i64: 2688, 512>}, {transform_indices = @transform_14, window_bounds = array<i64: 2688, 512>}, {pipeline_mode = #tpu.pipeline_mode<synchronous>, transform_indices = @transform_15, window_bounds = array<i64: 1, 512>}, {pipeline_mode = #tpu.pipeline_mode<synchronous>, transform_indices = @transform_16, window_bounds = array<i64: 1, 512>}, {pipeline_mode = #tpu.pipeline_mode<synchronous>, transform_indices = @transform_17, window_bounds = array<i64: 1, 512>}, {pipeline_mode = #tpu.pipeline_mode<synchronous>, transform_indices = @transform_18, window_bounds = array<i64: 512, 256>}, {pipeline_mode = #tpu.pipeline_mode<synchronous>, transform_indices = @transform_19, window_bounds = array<i64: 1, 256>}, {pipeline_mode = #tpu.pipeline_mode<synchronous>, transform_indices = @transform_20, window_bounds = array<i64: 1, 256>}, {pipeline_mode = #tpu.pipeline_mode<synchronous>, transform_indices = @transform_21, window_bounds = array<i64: 1, 256>}, {pipeline_mode = #tpu.pipeline_mode<synchronous>, transform_indices = @transform_22, window_bounds = array<i64: 256, 256>}, {pipeline_mode = #tpu.pipeline_mode<synchronous>, transform_indices = @transform_23, window_bounds = array<i64: 1, 256>}, {pipeline_mode = #tpu.pipeline_mode<synchronous>, transform_indices = @transform_24, window_bounds = array<i64: 1, 256>}, {pipeline_mode = #tpu.pipeline_mode<synchronous>, transform_indices = @transform_25, window_bounds = array<i64: 1, 256>}, {pipeline_mode = #tpu.pipeline_mode<synchronous>, transform_indices = @transform_26, window_bounds = array<i64: 256, 2>}, {pipeline_mode = #tpu.pipeline_mode<synchronous>, transform_indices = @transform_27, window_bounds = array<i64: 1, 2>}, {pipeline_mode = #tpu.pipeline_mode<synchronous>, transform_indices = @transform_28, window_bounds = array<i64: 8, 2>}]} {
    %get3A = arith.constant 0 : index
    %get3A_0 = arith.constant 0 : index
    %get3A_1 = arith.constant 0 : index
    %get3A_2 = vector.load %arg1[%get3A, %get3A_0, %get3A_1] : memref<2x200x200xf32, #tpu.memory_space<vmem>>, vector<1x200x200xf32>
    %get3A_3 = vector.shape_cast %get3A_2 : vector<1x200x200xf32> to vector<200x200xf32>
    %ne3A = arith.constant 0.000000e+00 : f32
    %ne3A_4 = vector.broadcast %ne3A : f32 to vector<200x200xf32>
    %ne3A_5 = arith.cmpf one, %get3A_3, %ne3A_4 : vector<200x200xf32>
    %jit3A = arith.constant 1.000000e+00 : f32
    %jit3A_6 = arith.constant 0.000000e+00 : f32
    %broadcast_in_dim3A = vector.broadcast %jit3A : f32 to vector<200x200xf32>
    %broadcast_in_dim3A_7 = vector.broadcast %jit3A_6 : f32 to vector<200x200xf32>
    %select_n3A = arith.select %ne3A_5, %broadcast_in_dim3A, %broadcast_in_dim3A_7 : vector<200x200xi1>, vector<200x200xf32>
    %iota3A = tpu.iota {dimensions = array<i32: 0>} : vector<200x200xi32>
    %iota3A_8 = tpu.iota {dimensions = array<i32: 1>} : vector<200x200xi32>
    %eq3A = arith.cmpi eq, %iota3A, %iota3A_8 : vector<200x200xi32>
    %jit3A_9 = arith.constant 1.000000e+00 : f32
    %jit3A_10 = arith.constant 0.000000e+00 : f32
    %broadcast_in_dim3A_11 = vector.broadcast %jit3A_9 : f32 to vector<200x200xf32>
    %broadcast_in_dim3A_12 = vector.broadcast %jit3A_10 : f32 to vector<200x200xf32>
    %select_n3A_13 = arith.select %eq3A, %broadcast_in_dim3A_11, %broadcast_in_dim3A_12 : vector<200x200xi1>, vector<200x200xf32>
    %add3A = arith.addf %select_n3A, %select_n3A_13 : vector<200x200xf32>
    %reduce_sum3A = arith.constant dense<0.000000e+00> : vector<200xf32>
    %reduce_sum3A_14 = vector.multi_reduction <add>, %add3A, %reduce_sum3A [0] : vector<200x200xf32> to vector<200xf32>
    %gt3A = arith.constant 0.000000e+00 : f32
    %gt3A_15 = vector.broadcast %gt3A : f32 to vector<200xf32>
    %gt3A_16 = arith.cmpf ogt, %reduce_sum3A_14, %gt3A_15 : vector<200xf32>
    %rsqrt3A = math.rsqrt %reduce_sum3A_14 : vector<200xf32>
    %jit3A_17 = arith.constant 0.000000e+00 : f32
    %broadcast_in_dim3A_18 = vector.broadcast %jit3A_17 : f32 to vector<200xf32>
    %select_n3A_19 = arith.select %gt3A_16, %rsqrt3A, %broadcast_in_dim3A_18 : vector<200xi1>, vector<200xf32>
    %get3A_20 = arith.constant 0 : index
    %get3A_21 = arith.constant 0 : index
    %get3A_22 = arith.constant 0 : index
    %get3A_23 = vector.load %arg2[%get3A_20, %get3A_21, %get3A_22] : memref<2x200x200xf32, #tpu.memory_space<vmem>>, vector<1x200x200xf32>
    %get3A_24 = vector.shape_cast %get3A_23 : vector<1x200x200xf32> to vector<200x200xf32>
    %get3A_25 = arith.constant 0 : index
    %get3A_26 = arith.constant 0 : index
    %get3A_27 = vector.load %arg3[%get3A_25, %get3A_26] : memref<200x256xf32, #tpu.memory_space<vmem>>, vector<200x256xf32>
    %dot_general3A = arith.constant dense<0.000000e+00> : vector<200x256xf32>
    %dot_general3A_28 = tpu.matmul %get3A_24, %get3A_27, %dot_general3A {dimension_numbers = #tpu.dot_dimension_numbers<[1], [0], [0], [1], [0, 0, 1, 1], [], []>, transpose_lhs_hint = false} : vector<200x200xf32>, vector<200x256xf32>, vector<200x256xf32> -> vector<200x256xf32>
    %broadcast_in_dim3A_29 = vector.shape_cast %select_n3A_19 : vector<200xf32> to vector<200x1xf32>
    %mul3A = vector.broadcast %broadcast_in_dim3A_29 : vector<200x1xf32> to vector<200x256xf32>
    %mul3A_30 = arith.mulf %dot_general3A_28, %mul3A : vector<200x256xf32>
    %convert_element_type3A = arith.truncf %mul3A_30 : vector<200x256xf32> to vector<200x256xbf16>
    %convert_element_type3A_31 = arith.extf %convert_element_type3A : vector<200x256xbf16> to vector<200x256xf32>
    %sub3A = arith.subf %mul3A_30, %convert_element_type3A_31 : vector<200x256xf32>
    %dot_general3A_32 = arith.constant dense<0.000000e+00> : vector<200x256xf32>
    %dot_general3A_33 = tpu.matmul %add3A, %convert_element_type3A_31, %dot_general3A_32 {dimension_numbers = #tpu.dot_dimension_numbers<[0], [0], [1], [1], [0, 1, 1, 1], [], []>, transpose_lhs_hint = false} : vector<200x200xf32>, vector<200x256xf32>, vector<200x256xf32> -> vector<200x256xf32>
    %dot_general3A_34 = arith.constant dense<0.000000e+00> : vector<200x256xf32>
    %dot_general3A_35 = tpu.matmul %add3A, %sub3A, %dot_general3A_34 {dimension_numbers = #tpu.dot_dimension_numbers<[0], [0], [1], [1], [0, 1, 1, 1], [], []>, transpose_lhs_hint = false} : vector<200x200xf32>, vector<200x256xf32>, vector<200x256xf32> -> vector<200x256xf32>
    %add3A_36 = arith.addf %dot_general3A_33, %dot_general3A_35 : vector<200x256xf32>
    %broadcast_in_dim3A_37 = vector.shape_cast %select_n3A_19 : vector<200xf32> to vector<200x1xf32>
    %mul3A_38 = vector.broadcast %broadcast_in_dim3A_37 : vector<200x1xf32> to vector<200x256xf32>
    %mul3A_39 = arith.mulf %add3A_36, %mul3A_38 : vector<200x256xf32>
    %get3A_40 = arith.constant 0 : index
    %get3A_41 = arith.constant 0 : index
    %get3A_42 = vector.load %arg6[%get3A_40, %get3A_41] : memref<1x256xf32, #tpu.memory_space<vmem>>, vector<1x256xf32>
    %add3A_43 = vector.broadcast %get3A_42 : vector<1x256xf32> to vector<200x256xf32>
    %add3A_44 = arith.addf %mul3A_39, %add3A_43 : vector<200x256xf32>
    %tanh3A = math.tanh %add3A_44 : vector<200x256xf32>
    %reduce_sum3A_45 = arith.constant dense<0.000000e+00> : vector<256xf32>
    %reduce_sum3A_46 = vector.multi_reduction <add>, %tanh3A, %reduce_sum3A_45 [0] : vector<200x256xf32> to vector<256xf32>
    %div3A = arith.constant 2.000000e+02 : f32
    %div3A_47 = vector.broadcast %div3A : f32 to vector<256xf32>
    %div3A_48 = arith.divf %reduce_sum3A_46, %div3A_47 : vector<256xf32>
    %reshape3A = vector.shape_cast %div3A_48 : vector<256xf32> to vector<1x256xf32>
    %mul3A_49 = arith.constant 2 : i32
    %mul3A_50 = arith.muli %mul3A_49, %arg0 : i32
    %add3A_51 = arith.constant 0 : i32
    %add3A_52 = arith.addi %mul3A_50, %add3A_51 : i32
    %swap3A = arith.index_cast %add3A_52 : i32 to index
    %swap3A_53 = arith.constant 0 : index
    %swap3A_54 = vector.load %arg30[%swap3A, %swap3A_53] : memref<8x768xf32, #tpu.memory_space<vmem>>, vector<1x256xf32>
    tpu.vector_store %arg30[%swap3A, %swap3A_53], %reshape3A {strides = array<i32>} : memref<8x768xf32, #tpu.memory_space<vmem>>, vector<1x256xf32>,
    %get3A_55 = arith.constant 0 : index
    %get3A_56 = arith.constant 0 : index
    %get3A_57 = vector.load %arg4[%get3A_55, %get3A_56] : memref<256x256xf32, #tpu.memory_space<vmem>>, vector<256x256xf32>
    %dot_general3A_58 = arith.constant dense<0.000000e+00> : vector<200x256xf32>
    %dot_general3A_59 = tpu.matmul %tanh3A, %get3A_57, %dot_general3A_58 {dimension_numbers = #tpu.dot_dimension_numbers<[1], [0], [0], [1], [0, 0, 1, 1], [], []>, transpose_lhs_hint = false} : vector<200x256xf32>, vector<256x256xf32>, vector<200x256xf32> -> vector<200x256xf32>
    %broadcast_in_dim3A_60 = vector.shape_cast %select_n3A_19 : vector<200xf32> to vector<200x1xf32>
    %mul3A_61 = vector.broadcast %broadcast_in_dim3A_60 : vector<200x1xf32> to vector<200x256xf32>
    %mul3A_62 = arith.mulf %dot_general3A_59, %mul3A_61 : vector<200x256xf32>
    %convert_element_type3A_63 = arith.truncf %mul3A_62 : vector<200x256xf32> to vector<200x256xbf16>
    %convert_element_type3A_64 = arith.extf %convert_element_type3A_63 : vector<200x256xbf16> to vector<200x256xf32>
    %sub3A_65 = arith.subf %mul3A_62, %convert_element_type3A_64 : vector<200x256xf32>
    %dot_general3A_66 = arith.constant dense<0.000000e+00> : vector<200x256xf32>
    %dot_general3A_67 = tpu.matmul %add3A, %convert_element_type3A_64, %dot_general3A_66 {dimension_numbers = #tpu.dot_dimension_numbers<[0], [0], [1], [1], [0, 1, 1, 1], [], []>, transpose_lhs_hint = false} : vector<200x200xf32>, vector<200x256xf32>, vector<200x256xf32> -> vector<200x256xf32>
    %dot_general3A_68 = arith.constant dense<0.000000e+00> : vector<200x256xf32>
    %dot_general3A_69 = tpu.matmul %add3A, %sub3A_65, %dot_general3A_68 {dimension_numbers = #tpu.dot_dimension_numbers<[0], [0], [1], [1], [0, 1, 1, 1], [], []>, transpose_lhs_hint = false} : vector<200x200xf32>, vector<200x256xf32>, vector<200x256xf32> -> vector<200x256xf32>
    %add3A_70 = arith.addf %dot_general3A_67, %dot_general3A_69 : vector<200x256xf32>
    %broadcast_in_dim3A_71 = vector.shape_cast %select_n3A_19 : vector<200xf32> to vector<200x1xf32>
    %mul3A_72 = vector.broadcast %broadcast_in_dim3A_71 : vector<200x1xf32> to vector<200x256xf32>
    %mul3A_73 = arith.mulf %add3A_70, %mul3A_72 : vector<200x256xf32>
    %get3A_74 = arith.constant 0 : index
    %get3A_75 = arith.constant 0 : index
    %get3A_76 = vector.load %arg7[%get3A_74, %get3A_75] : memref<1x256xf32, #tpu.memory_space<vmem>>, vector<1x256xf32>
    %add3A_77 = vector.broadcast %get3A_76 : vector<1x256xf32> to vector<200x256xf32>
    %add3A_78 = arith.addf %mul3A_73, %add3A_77 : vector<200x256xf32>
    %tanh3A_79 = math.tanh %add3A_78 : vector<200x256xf32>
    %reduce_sum3A_80 = arith.constant dense<0.000000e+00> : vector<256xf32>
    %reduce_sum3A_81 = vector.multi_reduction <add>, %tanh3A_79, %reduce_sum3A_80 [0] : vector<200x256xf32> to vector<256xf32>
    %div3A_82 = arith.constant 2.000000e+02 : f32
    %div3A_83 = vector.broadcast %div3A_82 : f32 to vector<256xf32>
    %div3A_84 = arith.divf %reduce_sum3A_81, %div3A_83 : vector<256xf32>
    %reshape3A_85 = vector.shape_cast %div3A_84 : vector<256xf32> to vector<1x256xf32>
    %mul3A_86 = arith.constant 2 : i32
    %mul3A_87 = arith.muli %mul3A_86, %arg0 : i32
    %add3A_88 = arith.constant 0 : i32
    %add3A_89 = arith.addi %mul3A_87, %add3A_88 : i32
    %swap3A_90 = arith.index_cast %add3A_89 : i32 to index
    %swap3A_91 = arith.constant 256 : index
    %swap3A_92 = vector.load %arg30[%swap3A_90, %swap3A_91] : memref<8x768xf32, #tpu.memory_space<vmem>>, vector<1x256xf32>
    tpu.vector_store %arg30[%swap3A_90, %swap3A_91], %reshape3A_85 {strides = array<i32>} : memref<8x768xf32, #tpu.memory_space<vmem>>, vector<1x256xf32>,
    %get3A_93 = arith.constant 0 : index
    %get3A_94 = arith.constant 0 : index
    %get3A_95 = vector.load %arg5[%get3A_93, %get3A_94] : memref<256x256xf32, #tpu.memory_space<vmem>>, vector<256x256xf32>
    %dot_general3A_96 = arith.constant dense<0.000000e+00> : vector<200x256xf32>
    %dot_general3A_97 = tpu.matmul %tanh3A_79, %get3A_95, %dot_general3A_96 {dimension_numbers = #tpu.dot_dimension_numbers<[1], [0], [0], [1], [0, 0, 1, 1], [], []>, transpose_lhs_hint = false} : vector<200x256xf32>, vector<256x256xf32>, vector<200x256xf32> -> vector<200x256xf32>
    %broadcast_in_dim3A_98 = vector.shape_cast %select_n3A_19 : vector<200xf32> to vector<200x1xf32>
    %mul3A_99 = vector.broadcast %broadcast_in_dim3A_98 : vector<200x1xf32> to vector<200x256xf32>
    %mul3A_100 = arith.mulf %dot_general3A_97, %mul3A_99 : vector<200x256xf32>
    %convert_element_type3A_101 = arith.truncf %mul3A_100 : vector<200x256xf32> to vector<200x256xbf16>
    %convert_element_type3A_102 = arith.extf %convert_element_type3A_101 : vector<200x256xbf16> to vector<200x256xf32>
    %sub3A_103 = arith.subf %mul3A_100, %convert_element_type3A_102 : vector<200x256xf32>
    %dot_general3A_104 = arith.constant dense<0.000000e+00> : vector<200x256xf32>
    %dot_general3A_105 = tpu.matmul %add3A, %convert_element_type3A_102, %dot_general3A_104 {dimension_numbers = #tpu.dot_dimension_numbers<[0], [0], [1], [1], [0, 1, 1, 1], [], []>, transpose_lhs_hint = false} : vector<200x200xf32>, vector<200x256xf32>, vector<200x256xf32> -> vector<200x256xf32>
    %dot_general3A_106 = arith.constant dense<0.000000e+00> : vector<200x256xf32>
    %dot_general3A_107 = tpu.matmul %add3A, %sub3A_103, %dot_general3A_106 {dimension_numbers = #tpu.dot_dimension_numbers<[0], [0], [1], [1], [0, 1, 1, 1], [], []>, transpose_lhs_hint = false} : vector<200x200xf32>, vector<200x256xf32>, vector<200x256xf32> -> vector<200x256xf32>
    %add3A_108 = arith.addf %dot_general3A_105, %dot_general3A_107 : vector<200x256xf32>
    %broadcast_in_dim3A_109 = vector.shape_cast %select_n3A_19 : vector<200xf32> to vector<200x1xf32>
    %mul3A_110 = vector.broadcast %broadcast_in_dim3A_109 : vector<200x1xf32> to vector<200x256xf32>
    %mul3A_111 = arith.mulf %add3A_108, %mul3A_110 : vector<200x256xf32>
    %get3A_112 = arith.constant 0 : index
    %get3A_113 = arith.constant 0 : index
    %get3A_114 = vector.load %arg8[%get3A_112, %get3A_113] : memref<1x256xf32, #tpu.memory_space<vmem>>, vector<1x256xf32>
    %add3A_115 = vector.broadcast %get3A_114 : vector<1x256xf32> to vector<200x256xf32>
    %add3A_116 = arith.addf %mul3A_111, %add3A_115 : vector<200x256xf32>
    %tanh3A_117 = math.tanh %add3A_116 : vector<200x256xf32>
    %reduce_sum3A_118 = arith.constant dense<0.000000e+00> : vector<256xf32>
    %reduce_sum3A_119 = vector.multi_reduction <add>, %tanh3A_117, %reduce_sum3A_118 [0] : vector<200x256xf32> to vector<256xf32>
    %div3A_120 = arith.constant 2.000000e+02 : f32
    %div3A_121 = vector.broadcast %div3A_120 : f32 to vector<256xf32>
    %div3A_122 = arith.divf %reduce_sum3A_119, %div3A_121 : vector<256xf32>
    %reshape3A_123 = vector.shape_cast %div3A_122 : vector<256xf32> to vector<1x256xf32>
    %mul3A_124 = arith.constant 2 : i32
    %mul3A_125 = arith.muli %mul3A_124, %arg0 : i32
    %add3A_126 = arith.constant 0 : i32
    %add3A_127 = arith.addi %mul3A_125, %add3A_126 : i32
    %swap3A_128 = arith.index_cast %add3A_127 : i32 to index
    %swap3A_129 = arith.constant 512 : index
    %swap3A_130 = vector.load %arg30[%swap3A_128, %swap3A_129] : memref<8x768xf32, #tpu.memory_space<vmem>>, vector<1x256xf32>
    tpu.vector_store %arg30[%swap3A_128, %swap3A_129], %reshape3A_123 {strides = array<i32>} : memref<8x768xf32, #tpu.memory_space<vmem>>, vector<1x256xf32>,
    %get3A_131 = arith.constant 1 : index
    %get3A_132 = arith.constant 0 : index
    %get3A_133 = arith.constant 0 : index
    %get3A_134 = vector.load %arg1[%get3A_131, %get3A_132, %get3A_133] : memref<2x200x200xf32, #tpu.memory_space<vmem>>, vector<1x200x200xf32>
    %get3A_135 = vector.shape_cast %get3A_134 : vector<1x200x200xf32> to vector<200x200xf32>
    %ne3A_136 = arith.constant 0.000000e+00 : f32
    %ne3A_137 = vector.broadcast %ne3A_136 : f32 to vector<200x200xf32>
    %ne3A_138 = arith.cmpf one, %get3A_135, %ne3A_137 : vector<200x200xf32>
    %jit3A_139 = arith.constant 1.000000e+00 : f32
    %jit3A_140 = arith.constant 0.000000e+00 : f32
    %broadcast_in_dim3A_141 = vector.broadcast %jit3A_139 : f32 to vector<200x200xf32>
    %broadcast_in_dim3A_142 = vector.broadcast %jit3A_140 : f32 to vector<200x200xf32>
    %select_n3A_143 = arith.select %ne3A_138, %broadcast_in_dim3A_141, %broadcast_in_dim3A_142 : vector<200x200xi1>, vector<200x200xf32>
    %iota3A_144 = tpu.iota {dimensions = array<i32: 0>} : vector<200x200xi32>
    %iota3A_145 = tpu.iota {dimensions = array<i32: 1>} : vector<200x200xi32>
    %eq3A_146 = arith.cmpi eq, %iota3A_144, %iota3A_145 : vector<200x200xi32>
    %jit3A_147 = arith.constant 1.000000e+00 : f32
    %jit3A_148 = arith.constant 0.000000e+00 : f32
    %broadcast_in_dim3A_149 = vector.broadcast %jit3A_147 : f32 to vector<200x200xf32>
    %broadcast_in_dim3A_150 = vector.broadcast %jit3A_148 : f32 to vector<200x200xf32>
    %select_n3A_151 = arith.select %eq3A_146, %broadcast_in_dim3A_149, %broadcast_in_dim3A_150 : vector<200x200xi1>, vector<200x200xf32>
    %add3A_152 = arith.addf %select_n3A_143, %select_n3A_151 : vector<200x200xf32>
    %reduce_sum3A_153 = arith.constant dense<0.000000e+00> : vector<200xf32>
    %reduce_sum3A_154 = vector.multi_reduction <add>, %add3A_152, %reduce_sum3A_153 [0] : vector<200x200xf32> to vector<200xf32>
    %gt3A_155 = arith.constant 0.000000e+00 : f32
    %gt3A_156 = vector.broadcast %gt3A_155 : f32 to vector<200xf32>
    %gt3A_157 = arith.cmpf ogt, %reduce_sum3A_154, %gt3A_156 : vector<200xf32>
    %rsqrt3A_158 = math.rsqrt %reduce_sum3A_154 : vector<200xf32>
    %jit3A_159 = arith.constant 0.000000e+00 : f32
    %broadcast_in_dim3A_160 = vector.broadcast %jit3A_159 : f32 to vector<200xf32>
    %select_n3A_161 = arith.select %gt3A_157, %rsqrt3A_158, %broadcast_in_dim3A_160 : vector<200xi1>, vector<200xf32>
    %get3A_162 = arith.constant 1 : index
    %get3A_163 = arith.constant 0 : index
    %get3A_164 = arith.constant 0 : index
    %get3A_165 = vector.load %arg2[%get3A_162, %get3A_163, %get3A_164] : memref<2x200x200xf32, #tpu.memory_space<vmem>>, vector<1x200x200xf32>
    %get3A_166 = vector.shape_cast %get3A_165 : vector<1x200x200xf32> to vector<200x200xf32>
    %get3A_167 = arith.constant 0 : index
    %get3A_168 = arith.constant 0 : index
    %get3A_169 = vector.load %arg3[%get3A_167, %get3A_168] : memref<200x256xf32, #tpu.memory_space<vmem>>, vector<200x256xf32>
    %dot_general3A_170 = arith.constant dense<0.000000e+00> : vector<200x256xf32>
    %dot_general3A_171 = tpu.matmul %get3A_166, %get3A_169, %dot_general3A_170 {dimension_numbers = #tpu.dot_dimension_numbers<[1], [0], [0], [1], [0, 0, 1, 1], [], []>, transpose_lhs_hint = false} : vector<200x200xf32>, vector<200x256xf32>, vector<200x256xf32> -> vector<200x256xf32>
    %broadcast_in_dim3A_172 = vector.shape_cast %select_n3A_161 : vector<200xf32> to vector<200x1xf32>
    %mul3A_173 = vector.broadcast %broadcast_in_dim3A_172 : vector<200x1xf32> to vector<200x256xf32>
    %mul3A_174 = arith.mulf %dot_general3A_171, %mul3A_173 : vector<200x256xf32>
    %convert_element_type3A_175 = arith.truncf %mul3A_174 : vector<200x256xf32> to vector<200x256xbf16>
    %convert_element_type3A_176 = arith.extf %convert_element_type3A_175 : vector<200x256xbf16> to vector<200x256xf32>
    %sub3A_177 = arith.subf %mul3A_174, %convert_element_type3A_176 : vector<200x256xf32>
    %dot_general3A_178 = arith.constant dense<0.000000e+00> : vector<200x256xf32>
    %dot_general3A_179 = tpu.matmul %add3A_152, %convert_element_type3A_176, %dot_general3A_178 {dimension_numbers = #tpu.dot_dimension_numbers<[0], [0], [1], [1], [0, 1, 1, 1], [], []>, transpose_lhs_hint = false} : vector<200x200xf32>, vector<200x256xf32>, vector<200x256xf32> -> vector<200x256xf32>
    %dot_general3A_180 = arith.constant dense<0.000000e+00> : vector<200x256xf32>
    %dot_general3A_181 = tpu.matmul %add3A_152, %sub3A_177, %dot_general3A_180 {dimension_numbers = #tpu.dot_dimension_numbers<[0], [0], [1], [1], [0, 1, 1, 1], [], []>, transpose_lhs_hint = false} : vector<200x200xf32>, vector<200x256xf32>, vector<200x256xf32> -> vector<200x256xf32>
    %add3A_182 = arith.addf %dot_general3A_179, %dot_general3A_181 : vector<200x256xf32>
    %broadcast_in_dim3A_183 = vector.shape_cast %select_n3A_161 : vector<200xf32> to vector<200x1xf32>
    %mul3A_184 = vector.broadcast %broadcast_in_dim3A_183 : vector<200x1xf32> to vector<200x256xf32>
    %mul3A_185 = arith.mulf %add3A_182, %mul3A_184 : vector<200x256xf32>
    %get3A_186 = arith.constant 0 : index
    %get3A_187 = arith.constant 0 : index
    %get3A_188 = vector.load %arg6[%get3A_186, %get3A_187] : memref<1x256xf32, #tpu.memory_space<vmem>>, vector<1x256xf32>
    %add3A_189 = vector.broadcast %get3A_188 : vector<1x256xf32> to vector<200x256xf32>
    %add3A_190 = arith.addf %mul3A_185, %add3A_189 : vector<200x256xf32>
    %tanh3A_191 = math.tanh %add3A_190 : vector<200x256xf32>
    %reduce_sum3A_192 = arith.constant dense<0.000000e+00> : vector<256xf32>
    %reduce_sum3A_193 = vector.multi_reduction <add>, %tanh3A_191, %reduce_sum3A_192 [0] : vector<200x256xf32> to vector<256xf32>
    %div3A_194 = arith.constant 2.000000e+02 : f32
    %div3A_195 = vector.broadcast %div3A_194 : f32 to vector<256xf32>
    %div3A_196 = arith.divf %reduce_sum3A_193, %div3A_195 : vector<256xf32>
    %reshape3A_197 = vector.shape_cast %div3A_196 : vector<256xf32> to vector<1x256xf32>
    %mul3A_198 = arith.constant 2 : i32
    %mul3A_199 = arith.muli %mul3A_198, %arg0 : i32
    %add3A_200 = arith.constant 1 : i32
    %add3A_201 = arith.addi %mul3A_199, %add3A_200 : i32
    %swap3A_202 = arith.index_cast %add3A_201 : i32 to index
    %swap3A_203 = arith.constant 0 : index
    %swap3A_204 = vector.load %arg30[%swap3A_202, %swap3A_203] : memref<8x768xf32, #tpu.memory_space<vmem>>, vector<1x256xf32>
    tpu.vector_store %arg30[%swap3A_202, %swap3A_203], %reshape3A_197 {strides = array<i32>} : memref<8x768xf32, #tpu.memory_space<vmem>>, vector<1x256xf32>,
    %get3A_205 = arith.constant 0 : index
    %get3A_206 = arith.constant 0 : index
    %get3A_207 = vector.load %arg4[%get3A_205, %get3A_206] : memref<256x256xf32, #tpu.memory_space<vmem>>, vector<256x256xf32>
    %dot_general3A_208 = arith.constant dense<0.000000e+00> : vector<200x256xf32>
    %dot_general3A_209 = tpu.matmul %tanh3A_191, %get3A_207, %dot_general3A_208 {dimension_numbers = #tpu.dot_dimension_numbers<[1], [0], [0], [1], [0, 0, 1, 1], [], []>, transpose_lhs_hint = false} : vector<200x256xf32>, vector<256x256xf32>, vector<200x256xf32> -> vector<200x256xf32>
    %broadcast_in_dim3A_210 = vector.shape_cast %select_n3A_161 : vector<200xf32> to vector<200x1xf32>
    %mul3A_211 = vector.broadcast %broadcast_in_dim3A_210 : vector<200x1xf32> to vector<200x256xf32>
    %mul3A_212 = arith.mulf %dot_general3A_209, %mul3A_211 : vector<200x256xf32>
    %convert_element_type3A_213 = arith.truncf %mul3A_212 : vector<200x256xf32> to vector<200x256xbf16>
    %convert_element_type3A_214 = arith.extf %convert_element_type3A_213 : vector<200x256xbf16> to vector<200x256xf32>
    %sub3A_215 = arith.subf %mul3A_212, %convert_element_type3A_214 : vector<200x256xf32>
    %dot_general3A_216 = arith.constant dense<0.000000e+00> : vector<200x256xf32>
    %dot_general3A_217 = tpu.matmul %add3A_152, %convert_element_type3A_214, %dot_general3A_216 {dimension_numbers = #tpu.dot_dimension_numbers<[0], [0], [1], [1], [0, 1, 1, 1], [], []>, transpose_lhs_hint = false} : vector<200x200xf32>, vector<200x256xf32>, vector<200x256xf32> -> vector<200x256xf32>
    %dot_general3A_218 = arith.constant dense<0.000000e+00> : vector<200x256xf32>
    %dot_general3A_219 = tpu.matmul %add3A_152, %sub3A_215, %dot_general3A_218 {dimension_numbers = #tpu.dot_dimension_numbers<[0], [0], [1], [1], [0, 1, 1, 1], [], []>, transpose_lhs_hint = false} : vector<200x200xf32>, vector<200x256xf32>, vector<200x256xf32> -> vector<200x256xf32>
    %add3A_220 = arith.addf %dot_general3A_217, %dot_general3A_219 : vector<200x256xf32>
    %broadcast_in_dim3A_221 = vector.shape_cast %select_n3A_161 : vector<200xf32> to vector<200x1xf32>
    %mul3A_222 = vector.broadcast %broadcast_in_dim3A_221 : vector<200x1xf32> to vector<200x256xf32>
    %mul3A_223 = arith.mulf %add3A_220, %mul3A_222 : vector<200x256xf32>
    %get3A_224 = arith.constant 0 : index
    %get3A_225 = arith.constant 0 : index
    %get3A_226 = vector.load %arg7[%get3A_224, %get3A_225] : memref<1x256xf32, #tpu.memory_space<vmem>>, vector<1x256xf32>
    %add3A_227 = vector.broadcast %get3A_226 : vector<1x256xf32> to vector<200x256xf32>
    %add3A_228 = arith.addf %mul3A_223, %add3A_227 : vector<200x256xf32>
    %tanh3A_229 = math.tanh %add3A_228 : vector<200x256xf32>
    %reduce_sum3A_230 = arith.constant dense<0.000000e+00> : vector<256xf32>
    %reduce_sum3A_231 = vector.multi_reduction <add>, %tanh3A_229, %reduce_sum3A_230 [0] : vector<200x256xf32> to vector<256xf32>
    %div3A_232 = arith.constant 2.000000e+02 : f32
    %div3A_233 = vector.broadcast %div3A_232 : f32 to vector<256xf32>
    %div3A_234 = arith.divf %reduce_sum3A_231, %div3A_233 : vector<256xf32>
    %reshape3A_235 = vector.shape_cast %div3A_234 : vector<256xf32> to vector<1x256xf32>
    %mul3A_236 = arith.constant 2 : i32
    %mul3A_237 = arith.muli %mul3A_236, %arg0 : i32
    %add3A_238 = arith.constant 1 : i32
    %add3A_239 = arith.addi %mul3A_237, %add3A_238 : i32
    %swap3A_240 = arith.index_cast %add3A_239 : i32 to index
    %swap3A_241 = arith.constant 256 : index
    %swap3A_242 = vector.load %arg30[%swap3A_240, %swap3A_241] : memref<8x768xf32, #tpu.memory_space<vmem>>, vector<1x256xf32>
    tpu.vector_store %arg30[%swap3A_240, %swap3A_241], %reshape3A_235 {strides = array<i32>} : memref<8x768xf32, #tpu.memory_space<vmem>>, vector<1x256xf32>,
    %get3A_243 = arith.constant 0 : index
    %get3A_244 = arith.constant 0 : index
    %get3A_245 = vector.load %arg5[%get3A_243, %get3A_244] : memref<256x256xf32, #tpu.memory_space<vmem>>, vector<256x256xf32>
    %dot_general3A_246 = arith.constant dense<0.000000e+00> : vector<200x256xf32>
    %dot_general3A_247 = tpu.matmul %tanh3A_229, %get3A_245, %dot_general3A_246 {dimension_numbers = #tpu.dot_dimension_numbers<[1], [0], [0], [1], [0, 0, 1, 1], [], []>, transpose_lhs_hint = false} : vector<200x256xf32>, vector<256x256xf32>, vector<200x256xf32> -> vector<200x256xf32>
    %broadcast_in_dim3A_248 = vector.shape_cast %select_n3A_161 : vector<200xf32> to vector<200x1xf32>
    %mul3A_249 = vector.broadcast %broadcast_in_dim3A_248 : vector<200x1xf32> to vector<200x256xf32>
    %mul3A_250 = arith.mulf %dot_general3A_247, %mul3A_249 : vector<200x256xf32>
    %convert_element_type3A_251 = arith.truncf %mul3A_250 : vector<200x256xf32> to vector<200x256xbf16>
    %convert_element_type3A_252 = arith.extf %convert_element_type3A_251 : vector<200x256xbf16> to vector<200x256xf32>
    %sub3A_253 = arith.subf %mul3A_250, %convert_element_type3A_252 : vector<200x256xf32>
    %dot_general3A_254 = arith.constant dense<0.000000e+00> : vector<200x256xf32>
    %dot_general3A_255 = tpu.matmul %add3A_152, %convert_element_type3A_252, %dot_general3A_254 {dimension_numbers = #tpu.dot_dimension_numbers<[0], [0], [1], [1], [0, 1, 1, 1], [], []>, transpose_lhs_hint = false} : vector<200x200xf32>, vector<200x256xf32>, vector<200x256xf32> -> vector<200x256xf32>
    %dot_general3A_256 = arith.constant dense<0.000000e+00> : vector<200x256xf32>
    %dot_general3A_257 = tpu.matmul %add3A_152, %sub3A_253, %dot_general3A_256 {dimension_numbers = #tpu.dot_dimension_numbers<[0], [0], [1], [1], [0, 1, 1, 1], [], []>, transpose_lhs_hint = false} : vector<200x200xf32>, vector<200x256xf32>, vector<200x256xf32> -> vector<200x256xf32>
    %add3A_258 = arith.addf %dot_general3A_255, %dot_general3A_257 : vector<200x256xf32>
    %broadcast_in_dim3A_259 = vector.shape_cast %select_n3A_161 : vector<200xf32> to vector<200x1xf32>
    %mul3A_260 = vector.broadcast %broadcast_in_dim3A_259 : vector<200x1xf32> to vector<200x256xf32>
    %mul3A_261 = arith.mulf %add3A_258, %mul3A_260 : vector<200x256xf32>
    %get3A_262 = arith.constant 0 : index
    %get3A_263 = arith.constant 0 : index
    %get3A_264 = vector.load %arg8[%get3A_262, %get3A_263] : memref<1x256xf32, #tpu.memory_space<vmem>>, vector<1x256xf32>
    %add3A_265 = vector.broadcast %get3A_264 : vector<1x256xf32> to vector<200x256xf32>
    %add3A_266 = arith.addf %mul3A_261, %add3A_265 : vector<200x256xf32>
    %tanh3A_267 = math.tanh %add3A_266 : vector<200x256xf32>
    %reduce_sum3A_268 = arith.constant dense<0.000000e+00> : vector<256xf32>
    %reduce_sum3A_269 = vector.multi_reduction <add>, %tanh3A_267, %reduce_sum3A_268 [0] : vector<200x256xf32> to vector<256xf32>
    %div3A_270 = arith.constant 2.000000e+02 : f32
    %div3A_271 = vector.broadcast %div3A_270 : f32 to vector<256xf32>
    %div3A_272 = arith.divf %reduce_sum3A_269, %div3A_271 : vector<256xf32>
    %reshape3A_273 = vector.shape_cast %div3A_272 : vector<256xf32> to vector<1x256xf32>
    %mul3A_274 = arith.constant 2 : i32
    %mul3A_275 = arith.muli %mul3A_274, %arg0 : i32
    %add3A_276 = arith.constant 1 : i32
    %add3A_277 = arith.addi %mul3A_275, %add3A_276 : i32
    %swap3A_278 = arith.index_cast %add3A_277 : i32 to index
    %swap3A_279 = arith.constant 512 : index
    %swap3A_280 = vector.load %arg30[%swap3A_278, %swap3A_279] : memref<8x768xf32, #tpu.memory_space<vmem>>, vector<1x256xf32>
    tpu.vector_store %arg30[%swap3A_278, %swap3A_279], %reshape3A_273 {strides = array<i32>} : memref<8x768xf32, #tpu.memory_space<vmem>>, vector<1x256xf32>,
    %get3A_281 = arith.constant 0 : index
    %get3A_282 = arith.constant 0 : index
    %get3A_283 = vector.load %arg9[%get3A_281, %get3A_282] : memref<8x5376xf32, #tpu.memory_space<vmem>>, vector<8x5376xf32>
    %iota3A_284 = tpu.iota {dimensions = array<i32: 1>} : vector<8x5376xi32>
    %mul3A_285 = arith.constant 5376 : i32
    %mul3A_286 = arith.muli %arg0, %mul3A_285 : i32
    %add3A_287 = vector.broadcast %mul3A_286 : i32 to vector<8x5376xi32>
    %add3A_288 = arith.addi %iota3A_284, %add3A_287 : vector<8x5376xi32>
    %reduce_sum3A_289 = arith.constant dense<0.000000e+00> : vector<5376xf32>
    %reduce_sum3A_290 = vector.multi_reduction <add>, %get3A_283, %reduce_sum3A_289 [0] : vector<8x5376xf32> to vector<5376xf32>
    %broadcast_in_dim3A_291 = vector.shape_cast %reduce_sum3A_290 : vector<5376xf32> to vector<1x5376xf32>
    %div3A_292 = arith.constant 8.000000e+00 : f32
    %div3A_293 = vector.broadcast %div3A_292 : f32 to vector<1x5376xf32>
    %div3A_294 = arith.divf %broadcast_in_dim3A_291, %div3A_293 : vector<1x5376xf32>
    %sub3A_295 = vector.broadcast %div3A_294 : vector<1x5376xf32> to vector<8x5376xf32>
    %sub3A_296 = arith.subf %get3A_283, %sub3A_295 : vector<8x5376xf32>
    %integer_pow3A = arith.mulf %sub3A_296, %sub3A_296 : vector<8x5376xf32>
    %reduce_sum3A_297 = arith.constant dense<0.000000e+00> : vector<5376xf32>
    %reduce_sum3A_298 = vector.multi_reduction <add>, %integer_pow3A, %reduce_sum3A_297 [0] : vector<8x5376xf32> to vector<5376xf32>
    %broadcast_in_dim3A_299 = vector.shape_cast %reduce_sum3A_298 : vector<5376xf32> to vector<1x5376xf32>
    %div3A_300 = arith.constant 8.000000e+00 : f32
    %div3A_301 = vector.broadcast %div3A_300 : f32 to vector<1x5376xf32>
    %div3A_302 = arith.divf %broadcast_in_dim3A_299, %div3A_301 : vector<1x5376xf32>
    %sub3A_303 = vector.broadcast %div3A_294 : vector<1x5376xf32> to vector<8x5376xf32>
    %sub3A_304 = arith.subf %get3A_283, %sub3A_303 : vector<8x5376xf32>
    %add3A_305 = arith.constant 9.99999974E-6 : f32
    %add3A_306 = vector.broadcast %add3A_305 : f32 to vector<1x5376xf32>
    %add3A_307 = arith.addf %div3A_302, %add3A_306 : vector<1x5376xf32>
    %rsqrt3A_308 = math.rsqrt %add3A_307 : vector<1x5376xf32>
    %mul3A_309 = vector.broadcast %rsqrt3A_308 : vector<1x5376xf32> to vector<8x5376xf32>
    %mul3A_310 = arith.mulf %sub3A_304, %mul3A_309 : vector<8x5376xf32>
    %get3A_311 = arith.constant 0 : index
    %get3A_312 = arith.constant 0 : index
    %get3A_313 = vector.load %arg10[%get3A_311, %get3A_312] : memref<1x5376xf32, #tpu.memory_space<vmem>>, vector<1x5376xf32>
    %mul3A_314 = vector.broadcast %get3A_313 : vector<1x5376xf32> to vector<8x5376xf32>
    %mul3A_315 = arith.mulf %mul3A_310, %mul3A_314 : vector<8x5376xf32>
    %get3A_316 = arith.constant 0 : index
    %get3A_317 = arith.constant 0 : index
    %get3A_318 = vector.load %arg11[%get3A_316, %get3A_317] : memref<1x5376xf32, #tpu.memory_space<vmem>>, vector<1x5376xf32>
    %add3A_319 = vector.broadcast %get3A_318 : vector<1x5376xf32> to vector<8x5376xf32>
    %add3A_320 = arith.addf %mul3A_315, %add3A_319 : vector<8x5376xf32>
    %lt3A = arith.constant 19900 : i32
    %lt3A_321 = vector.broadcast %lt3A : i32 to vector<8x5376xi32>
    %lt3A_322 = arith.cmpi slt, %add3A_288, %lt3A_321 : vector<8x5376xi32>
    %jit3A_323 = arith.constant 0.000000e+00 : f32
    %broadcast_in_dim3A_324 = vector.broadcast %jit3A_323 : f32 to vector<8x5376xf32>
    %select_n3A_325 = arith.select %lt3A_322, %add3A_320, %broadcast_in_dim3A_324 : vector<8x5376xi1>, vector<8x5376xf32>
    %iota3A_326 = tpu.iota {dimensions = array<i32: 0>} : vector<2688x512xi32>
    %mul3A_327 = arith.constant 2 : i32
    %mul3A_328 = arith.muli %mul3A_327, %arg0 : i32
    %add3A_329 = arith.constant 1 : i32
    %add3A_330 = arith.addi %mul3A_328, %add3A_329 : i32
    %mul3A_331 = arith.constant 2688 : i32
    %mul3A_332 = arith.muli %add3A_330, %mul3A_331 : i32
    %add3A_333 = vector.broadcast %mul3A_332 : i32 to vector<2688x512xi32>
    %add3A_334 = arith.addi %iota3A_326, %add3A_333 : vector<2688x512xi32>
    %get3A_335 = arith.constant 0 : index
    %get3A_336 = arith.constant 0 : index
    %get3A_337 = vector.load %arg14[%get3A_335, %get3A_336] : memref<2688x512xf32, #tpu.memory_space<vmem>>, vector<2688x512xf32>
    %lt3A_338 = arith.constant 20668 : i32
    %lt3A_339 = vector.broadcast %lt3A_338 : i32 to vector<2688x512xi32>
    %lt3A_340 = arith.cmpi slt, %add3A_334, %lt3A_339 : vector<2688x512xi32>
    %get3A_341 = arith.constant 0 : index
    %get3A_342 = arith.constant 0 : index
    %get3A_343 = vector.load %arg15[%get3A_341, %get3A_342] : memref<2688x512xf32, #tpu.memory_space<vmem>>, vector<2688x512xf32>
    %jit3A_344 = arith.constant 0.000000e+00 : f32
    %broadcast_in_dim3A_345 = vector.broadcast %jit3A_344 : f32 to vector<2688x512xf32>
    %select_n3A_346 = arith.select %lt3A_340, %get3A_343, %broadcast_in_dim3A_345 : vector<2688x512xi1>, vector<2688x512xf32>
    %slice3A = vector.extract_strided_slice %select_n3A_325 {offsets = [0, 0], sizes = [8, 2688], strides = [1, 1]} : vector<8x5376xf32> to vector<8x2688xf32>
    %dot_general3A_347 = arith.constant dense<0.000000e+00> : vector<8x512xf32>
    %dot_general3A_348 = tpu.matmul %slice3A, %get3A_337, %dot_general3A_347 {dimension_numbers = #tpu.dot_dimension_numbers<[1], [0], [0], [1], [0, 0, 1, 1], [], []>, transpose_lhs_hint = false} : vector<8x2688xf32>, vector<2688x512xf32>, vector<8x512xf32> -> vector<8x512xf32>
    %slice3A_349 = vector.extract_strided_slice %select_n3A_325 {offsets = [0, 2688], sizes = [8, 2688], strides = [1, 1]} : vector<8x5376xf32> to vector<8x2688xf32>
    %dot_general3A_350 = arith.constant dense<0.000000e+00> : vector<8x512xf32>
    %dot_general3A_351 = tpu.matmul %slice3A_349, %select_n3A_346, %dot_general3A_350 {dimension_numbers = #tpu.dot_dimension_numbers<[1], [0], [0], [1], [0, 0, 1, 1], [], []>, transpose_lhs_hint = false} : vector<8x2688xf32>, vector<2688x512xf32>, vector<8x512xf32> -> vector<8x512xf32>
    %add3A_352 = arith.addf %dot_general3A_348, %dot_general3A_351 : vector<8x512xf32>
    %eq3A_353 = arith.constant 0 : i32
    %eq3A_354 = arith.cmpi eq, %arg0, %eq3A_353 : i32
    %convert_element_type3A_355 = arith.extui %eq3A_354 : i1 to i32
    %cond3A = arith.constant 0 : i32
    %cond3A_356 = arith.cmpi ne, %convert_element_type3A_355, %cond3A : i32
    scf.if %cond3A_356 {
      %swap3A_367 = arith.constant 0 : index
      %swap3A_368 = arith.constant 0 : index
      %swap3A_369 = vector.load %arg31[%swap3A_367, %swap3A_368] : memref<8x512xf32, #tpu.memory_space<vmem>>, vector<8x512xf32>
      tpu.vector_store %arg31[%swap3A_367, %swap3A_368], %add3A_352 {strides = array<i32>} : memref<8x512xf32, #tpu.memory_space<vmem>>, vector<8x512xf32>,
    } else {
    }
    %gt3A_357 = arith.constant 0 : i32
    %gt3A_358 = arith.cmpi sgt, %arg0, %gt3A_357 : i32
    %convert_element_type3A_359 = arith.extui %gt3A_358 : i1 to i32
    %cond3A_360 = arith.constant 0 : i32
    %cond3A_361 = arith.cmpi ne, %convert_element_type3A_359, %cond3A_360 : i32
    scf.if %cond3A_361 {
      %get3A_367 = arith.constant 0 : index
      %get3A_368 = arith.constant 0 : index
      %get3A_369 = vector.load %arg31[%get3A_367, %get3A_368] : memref<8x512xf32, #tpu.memory_space<vmem>>, vector<8x512xf32>
      %add3A_370 = arith.addf %get3A_369, %add3A_352 : vector<8x512xf32>
      %swap3A_371 = arith.constant 0 : index
      %swap3A_372 = arith.constant 0 : index
      %swap3A_373 = vector.load %arg31[%swap3A_371, %swap3A_372] : memref<8x512xf32, #tpu.memory_space<vmem>>, vector<8x512xf32>
      tpu.vector_store %arg31[%swap3A_371, %swap3A_372], %add3A_370 {strides = array<i32>} : memref<8x512xf32, #tpu.memory_space<vmem>>, vector<8x512xf32>,
    } else {
    }
    %eq3A_362 = arith.constant 3 : i32
    %eq3A_363 = arith.cmpi eq, %arg0, %eq3A_362 : i32
    %convert_element_type3A_364 = arith.extui %eq3A_363 : i1 to i32
    %cond3A_365 = arith.constant 0 : i32
    %cond3A_366 = arith.cmpi ne, %convert_element_type3A_364, %cond3A_365 : i32
    scf.if %cond3A_366 {
      %get3A_367 = arith.constant 0 : index
      %get3A_368 = arith.constant 0 : index
      %get3A_369 = vector.load %arg30[%get3A_367, %get3A_368] : memref<8x768xf32, #tpu.memory_space<vmem>>, vector<8x768xf32>
      %reduce_sum3A_370 = arith.constant dense<0.000000e+00> : vector<768xf32>
      %reduce_sum3A_371 = vector.multi_reduction <add>, %get3A_369, %reduce_sum3A_370 [0] : vector<8x768xf32> to vector<768xf32>
      %broadcast_in_dim3A_372 = vector.shape_cast %reduce_sum3A_371 : vector<768xf32> to vector<1x768xf32>
      %div3A_373 = arith.constant 8.000000e+00 : f32
      %div3A_374 = vector.broadcast %div3A_373 : f32 to vector<1x768xf32>
      %div3A_375 = arith.divf %broadcast_in_dim3A_372, %div3A_374 : vector<1x768xf32>
      %sub3A_376 = vector.broadcast %div3A_375 : vector<1x768xf32> to vector<8x768xf32>
      %sub3A_377 = arith.subf %get3A_369, %sub3A_376 : vector<8x768xf32>
      %integer_pow3A_378 = arith.mulf %sub3A_377, %sub3A_377 : vector<8x768xf32>
      %reduce_sum3A_379 = arith.constant dense<0.000000e+00> : vector<768xf32>
      %reduce_sum3A_380 = vector.multi_reduction <add>, %integer_pow3A_378, %reduce_sum3A_379 [0] : vector<8x768xf32> to vector<768xf32>
      %broadcast_in_dim3A_381 = vector.shape_cast %reduce_sum3A_380 : vector<768xf32> to vector<1x768xf32>
      %div3A_382 = arith.constant 8.000000e+00 : f32
      %div3A_383 = vector.broadcast %div3A_382 : f32 to vector<1x768xf32>
      %div3A_384 = arith.divf %broadcast_in_dim3A_381, %div3A_383 : vector<1x768xf32>
      %sub3A_385 = vector.broadcast %div3A_375 : vector<1x768xf32> to vector<8x768xf32>
      %sub3A_386 = arith.subf %get3A_369, %sub3A_385 : vector<8x768xf32>
      %add3A_387 = arith.constant 9.99999974E-6 : f32
      %add3A_388 = vector.broadcast %add3A_387 : f32 to vector<1x768xf32>
      %add3A_389 = arith.addf %div3A_384, %add3A_388 : vector<1x768xf32>
      %rsqrt3A_390 = math.rsqrt %add3A_389 : vector<1x768xf32>
      %mul3A_391 = vector.broadcast %rsqrt3A_390 : vector<1x768xf32> to vector<8x768xf32>
      %mul3A_392 = arith.mulf %sub3A_386, %mul3A_391 : vector<8x768xf32>
      %get3A_393 = arith.constant 0 : index
      %get3A_394 = arith.constant 0 : index
      %get3A_395 = vector.load %arg12[%get3A_393, %get3A_394] : memref<1x768xf32, #tpu.memory_space<vmem>>, vector<1x768xf32>
      %mul3A_396 = vector.broadcast %get3A_395 : vector<1x768xf32> to vector<8x768xf32>
      %mul3A_397 = arith.mulf %mul3A_392, %mul3A_396 : vector<8x768xf32>
      %get3A_398 = arith.constant 0 : index
      %get3A_399 = arith.constant 0 : index
      %get3A_400 = vector.load %arg13[%get3A_398, %get3A_399] : memref<1x768xf32, #tpu.memory_space<vmem>>, vector<1x768xf32>
      %add3A_401 = vector.broadcast %get3A_400 : vector<1x768xf32> to vector<8x768xf32>
      %add3A_402 = arith.addf %mul3A_397, %add3A_401 : vector<8x768xf32>
      %get3A_403 = arith.constant 1084 : index
      %get3A_404 = arith.constant 0 : index
      %get3A_405 = vector.load %arg15[%get3A_403, %get3A_404] : memref<2688x512xf32, #tpu.memory_space<vmem>>, vector<768x512xf32>
      %get3A_406 = arith.constant 0 : index
      %get3A_407 = arith.constant 0 : index
      %get3A_408 = vector.load %arg31[%get3A_406, %get3A_407] : memref<8x512xf32, #tpu.memory_space<vmem>>, vector<8x512xf32>
      %dot_general3A_409 = arith.constant dense<0.000000e+00> : vector<8x512xf32>
      %dot_general3A_410 = tpu.matmul %add3A_402, %get3A_405, %dot_general3A_409 {dimension_numbers = #tpu.dot_dimension_numbers<[1], [0], [0], [1], [0, 0, 1, 1], [], []>, transpose_lhs_hint = false} : vector<8x768xf32>, vector<768x512xf32>, vector<8x512xf32> -> vector<8x512xf32>
      %add3A_411 = arith.addf %get3A_408, %dot_general3A_410 : vector<8x512xf32>
      %get3A_412 = arith.constant 0 : index
      %get3A_413 = arith.constant 0 : index
      %get3A_414 = vector.load %arg16[%get3A_412, %get3A_413] : memref<1x512xf32, #tpu.memory_space<vmem>>, vector<1x512xf32>
      %add3A_415 = vector.broadcast %get3A_414 : vector<1x512xf32> to vector<8x512xf32>
      %add3A_416 = arith.addf %add3A_411, %add3A_415 : vector<8x512xf32>
      %get3A_417 = arith.constant 0 : index
      %get3A_418 = arith.constant 0 : index
      %get3A_419 = vector.load %arg17[%get3A_417, %get3A_418] : memref<1x512xf32, #tpu.memory_space<vmem>>, vector<1x512xf32>
      %get3A_420 = arith.constant 0 : index
      %get3A_421 = arith.constant 0 : index
      %get3A_422 = vector.load %arg18[%get3A_420, %get3A_421] : memref<1x512xf32, #tpu.memory_space<vmem>>, vector<1x512xf32>
      %reduce_sum3A_423 = arith.constant dense<0.000000e+00> : vector<512xf32>
      %reduce_sum3A_424 = vector.multi_reduction <add>, %add3A_416, %reduce_sum3A_423 [0] : vector<8x512xf32> to vector<512xf32>
      %broadcast_in_dim3A_425 = vector.shape_cast %reduce_sum3A_424 : vector<512xf32> to vector<1x512xf32>
      %div3A_426 = arith.constant 8.000000e+00 : f32
      %div3A_427 = vector.broadcast %div3A_426 : f32 to vector<1x512xf32>
      %div3A_428 = arith.divf %broadcast_in_dim3A_425, %div3A_427 : vector<1x512xf32>
      %sub3A_429 = vector.broadcast %div3A_428 : vector<1x512xf32> to vector<8x512xf32>
      %sub3A_430 = arith.subf %add3A_416, %sub3A_429 : vector<8x512xf32>
      %integer_pow3A_431 = arith.mulf %sub3A_430, %sub3A_430 : vector<8x512xf32>
      %reduce_sum3A_432 = arith.constant dense<0.000000e+00> : vector<512xf32>
      %reduce_sum3A_433 = vector.multi_reduction <add>, %integer_pow3A_431, %reduce_sum3A_432 [0] : vector<8x512xf32> to vector<512xf32>
      %broadcast_in_dim3A_434 = vector.shape_cast %reduce_sum3A_433 : vector<512xf32> to vector<1x512xf32>
      %div3A_435 = arith.constant 8.000000e+00 : f32
      %div3A_436 = vector.broadcast %div3A_435 : f32 to vector<1x512xf32>
      %div3A_437 = arith.divf %broadcast_in_dim3A_434, %div3A_436 : vector<1x512xf32>
      %sub3A_438 = vector.broadcast %div3A_428 : vector<1x512xf32> to vector<8x512xf32>
      %sub3A_439 = arith.subf %add3A_416, %sub3A_438 : vector<8x512xf32>
      %add3A_440 = arith.constant 9.99999974E-6 : f32
      %add3A_441 = vector.broadcast %add3A_440 : f32 to vector<1x512xf32>
      %add3A_442 = arith.addf %div3A_437, %add3A_441 : vector<1x512xf32>
      %rsqrt3A_443 = math.rsqrt %add3A_442 : vector<1x512xf32>
      %mul3A_444 = vector.broadcast %rsqrt3A_443 : vector<1x512xf32> to vector<8x512xf32>
      %mul3A_445 = arith.mulf %sub3A_439, %mul3A_444 : vector<8x512xf32>
      %mul3A_446 = vector.broadcast %get3A_419 : vector<1x512xf32> to vector<8x512xf32>
      %mul3A_447 = arith.mulf %mul3A_445, %mul3A_446 : vector<8x512xf32>
      %add3A_448 = vector.broadcast %get3A_422 : vector<1x512xf32> to vector<8x512xf32>
      %add3A_449 = arith.addf %mul3A_447, %add3A_448 : vector<8x512xf32>
      %max3A = arith.constant 0.000000e+00 : f32
      %max3A_450 = vector.broadcast %max3A : f32 to vector<8x512xf32>
      %max3A_451 = arith.maximumf %add3A_449, %max3A_450 : vector<8x512xf32>
      %get3A_452 = arith.constant 0 : index
      %get3A_453 = arith.constant 0 : index
      %get3A_454 = vector.load %arg19[%get3A_452, %get3A_453] : memref<512x256xf32, #tpu.memory_space<vmem>>, vector<512x256xf32>
      %dot_general3A_455 = arith.constant dense<0.000000e+00> : vector<8x256xf32>
      %dot_general3A_456 = tpu.matmul %max3A_451, %get3A_454, %dot_general3A_455 {dimension_numbers = #tpu.dot_dimension_numbers<[1], [0], [0], [1], [0, 0, 1, 1], [], []>, transpose_lhs_hint = false} : vector<8x512xf32>, vector<512x256xf32>, vector<8x256xf32> -> vector<8x256xf32>
      %get3A_457 = arith.constant 0 : index
      %get3A_458 = arith.constant 0 : index
      %get3A_459 = vector.load %arg20[%get3A_457, %get3A_458] : memref<1x256xf32, #tpu.memory_space<vmem>>, vector<1x256xf32>
      %add3A_460 = vector.broadcast %get3A_459 : vector<1x256xf32> to vector<8x256xf32>
      %add3A_461 = arith.addf %dot_general3A_456, %add3A_460 : vector<8x256xf32>
      %get3A_462 = arith.constant 0 : index
      %get3A_463 = arith.constant 0 : index
      %get3A_464 = vector.load %arg21[%get3A_462, %get3A_463] : memref<1x256xf32, #tpu.memory_space<vmem>>, vector<1x256xf32>
      %get3A_465 = arith.constant 0 : index
      %get3A_466 = arith.constant 0 : index
      %get3A_467 = vector.load %arg22[%get3A_465, %get3A_466] : memref<1x256xf32, #tpu.memory_space<vmem>>, vector<1x256xf32>
      %reduce_sum3A_468 = arith.constant dense<0.000000e+00> : vector<256xf32>
      %reduce_sum3A_469 = vector.multi_reduction <add>, %add3A_461, %reduce_sum3A_468 [0] : vector<8x256xf32> to vector<256xf32>
      %broadcast_in_dim3A_470 = vector.shape_cast %reduce_sum3A_469 : vector<256xf32> to vector<1x256xf32>
      %div3A_471 = arith.constant 8.000000e+00 : f32
      %div3A_472 = vector.broadcast %div3A_471 : f32 to vector<1x256xf32>
      %div3A_473 = arith.divf %broadcast_in_dim3A_470, %div3A_472 : vector<1x256xf32>
      %sub3A_474 = vector.broadcast %div3A_473 : vector<1x256xf32> to vector<8x256xf32>
      %sub3A_475 = arith.subf %add3A_461, %sub3A_474 : vector<8x256xf32>
      %integer_pow3A_476 = arith.mulf %sub3A_475, %sub3A_475 : vector<8x256xf32>
      %reduce_sum3A_477 = arith.constant dense<0.000000e+00> : vector<256xf32>
      %reduce_sum3A_478 = vector.multi_reduction <add>, %integer_pow3A_476, %reduce_sum3A_477 [0] : vector<8x256xf32> to vector<256xf32>
      %broadcast_in_dim3A_479 = vector.shape_cast %reduce_sum3A_478 : vector<256xf32> to vector<1x256xf32>
      %div3A_480 = arith.constant 8.000000e+00 : f32
      %div3A_481 = vector.broadcast %div3A_480 : f32 to vector<1x256xf32>
      %div3A_482 = arith.divf %broadcast_in_dim3A_479, %div3A_481 : vector<1x256xf32>
      %sub3A_483 = vector.broadcast %div3A_473 : vector<1x256xf32> to vector<8x256xf32>
      %sub3A_484 = arith.subf %add3A_461, %sub3A_483 : vector<8x256xf32>
      %add3A_485 = arith.constant 9.99999974E-6 : f32
      %add3A_486 = vector.broadcast %add3A_485 : f32 to vector<1x256xf32>
      %add3A_487 = arith.addf %div3A_482, %add3A_486 : vector<1x256xf32>
      %rsqrt3A_488 = math.rsqrt %add3A_487 : vector<1x256xf32>
      %mul3A_489 = vector.broadcast %rsqrt3A_488 : vector<1x256xf32> to vector<8x256xf32>
      %mul3A_490 = arith.mulf %sub3A_484, %mul3A_489 : vector<8x256xf32>
      %mul3A_491 = vector.broadcast %get3A_464 : vector<1x256xf32> to vector<8x256xf32>
      %mul3A_492 = arith.mulf %mul3A_490, %mul3A_491 : vector<8x256xf32>
      %add3A_493 = vector.broadcast %get3A_467 : vector<1x256xf32> to vector<8x256xf32>
      %add3A_494 = arith.addf %mul3A_492, %add3A_493 : vector<8x256xf32>
      %max3A_495 = arith.constant 0.000000e+00 : f32
      %max3A_496 = vector.broadcast %max3A_495 : f32 to vector<8x256xf32>
      %max3A_497 = arith.maximumf %add3A_494, %max3A_496 : vector<8x256xf32>
      %get3A_498 = arith.constant 0 : index
      %get3A_499 = arith.constant 0 : index
      %get3A_500 = vector.load %arg23[%get3A_498, %get3A_499] : memref<256x256xf32, #tpu.memory_space<vmem>>, vector<256x256xf32>
      %dot_general3A_501 = arith.constant dense<0.000000e+00> : vector<8x256xf32>
      %dot_general3A_502 = tpu.matmul %max3A_497, %get3A_500, %dot_general3A_501 {dimension_numbers = #tpu.dot_dimension_numbers<[1], [0], [0], [1], [0, 0, 1, 1], [], []>, transpose_lhs_hint = false} : vector<8x256xf32>, vector<256x256xf32>, vector<8x256xf32> -> vector<8x256xf32>
      %get3A_503 = arith.constant 0 : index
      %get3A_504 = arith.constant 0 : index
      %get3A_505 = vector.load %arg24[%get3A_503, %get3A_504] : memref<1x256xf32, #tpu.memory_space<vmem>>, vector<1x256xf32>
      %add3A_506 = vector.broadcast %get3A_505 : vector<1x256xf32> to vector<8x256xf32>
      %add3A_507 = arith.addf %dot_general3A_502, %add3A_506 : vector<8x256xf32>
      %get3A_508 = arith.constant 0 : index
      %get3A_509 = arith.constant 0 : index
      %get3A_510 = vector.load %arg25[%get3A_508, %get3A_509] : memref<1x256xf32, #tpu.memory_space<vmem>>, vector<1x256xf32>
      %get3A_511 = arith.constant 0 : index
      %get3A_512 = arith.constant 0 : index
      %get3A_513 = vector.load %arg26[%get3A_511, %get3A_512] : memref<1x256xf32, #tpu.memory_space<vmem>>, vector<1x256xf32>
      %reduce_sum3A_514 = arith.constant dense<0.000000e+00> : vector<256xf32>
      %reduce_sum3A_515 = vector.multi_reduction <add>, %add3A_507, %reduce_sum3A_514 [0] : vector<8x256xf32> to vector<256xf32>
      %broadcast_in_dim3A_516 = vector.shape_cast %reduce_sum3A_515 : vector<256xf32> to vector<1x256xf32>
      %div3A_517 = arith.constant 8.000000e+00 : f32
      %div3A_518 = vector.broadcast %div3A_517 : f32 to vector<1x256xf32>
      %div3A_519 = arith.divf %broadcast_in_dim3A_516, %div3A_518 : vector<1x256xf32>
      %sub3A_520 = vector.broadcast %div3A_519 : vector<1x256xf32> to vector<8x256xf32>
      %sub3A_521 = arith.subf %add3A_507, %sub3A_520 : vector<8x256xf32>
      %integer_pow3A_522 = arith.mulf %sub3A_521, %sub3A_521 : vector<8x256xf32>
      %reduce_sum3A_523 = arith.constant dense<0.000000e+00> : vector<256xf32>
      %reduce_sum3A_524 = vector.multi_reduction <add>, %integer_pow3A_522, %reduce_sum3A_523 [0] : vector<8x256xf32> to vector<256xf32>
      %broadcast_in_dim3A_525 = vector.shape_cast %reduce_sum3A_524 : vector<256xf32> to vector<1x256xf32>
      %div3A_526 = arith.constant 8.000000e+00 : f32
      %div3A_527 = vector.broadcast %div3A_526 : f32 to vector<1x256xf32>
      %div3A_528 = arith.divf %broadcast_in_dim3A_525, %div3A_527 : vector<1x256xf32>
      %sub3A_529 = vector.broadcast %div3A_519 : vector<1x256xf32> to vector<8x256xf32>
      %sub3A_530 = arith.subf %add3A_507, %sub3A_529 : vector<8x256xf32>
      %add3A_531 = arith.constant 9.99999974E-6 : f32
      %add3A_532 = vector.broadcast %add3A_531 : f32 to vector<1x256xf32>
      %add3A_533 = arith.addf %div3A_528, %add3A_532 : vector<1x256xf32>
      %rsqrt3A_534 = math.rsqrt %add3A_533 : vector<1x256xf32>
      %mul3A_535 = vector.broadcast %rsqrt3A_534 : vector<1x256xf32> to vector<8x256xf32>
      %mul3A_536 = arith.mulf %sub3A_530, %mul3A_535 : vector<8x256xf32>
      %mul3A_537 = vector.broadcast %get3A_510 : vector<1x256xf32> to vector<8x256xf32>
      %mul3A_538 = arith.mulf %mul3A_536, %mul3A_537 : vector<8x256xf32>
      %add3A_539 = vector.broadcast %get3A_513 : vector<1x256xf32> to vector<8x256xf32>
      %add3A_540 = arith.addf %mul3A_538, %add3A_539 : vector<8x256xf32>
      %max3A_541 = arith.constant 0.000000e+00 : f32
      %max3A_542 = vector.broadcast %max3A_541 : f32 to vector<8x256xf32>
      %max3A_543 = arith.maximumf %add3A_540, %max3A_542 : vector<8x256xf32>
      %get3A_544 = arith.constant 0 : index
      %get3A_545 = arith.constant 0 : index
      %get3A_546 = vector.load %arg27[%get3A_544, %get3A_545] : memref<256x2xf32, #tpu.memory_space<vmem>>, vector<256x2xf32>
      %dot_general3A_547 = arith.constant dense<0.000000e+00> : vector<8x2xf32>
      %dot_general3A_548 = tpu.matmul %max3A_543, %get3A_546, %dot_general3A_547 {dimension_numbers = #tpu.dot_dimension_numbers<[1], [0], [0], [1], [0, 0, 1, 1], [], []>, transpose_lhs_hint = false} : vector<8x256xf32>, vector<256x2xf32>, vector<8x2xf32> -> vector<8x2xf32>
      %get3A_549 = arith.constant 0 : index
      %get3A_550 = arith.constant 0 : index
      %get3A_551 = vector.load %arg28[%get3A_549, %get3A_550] : memref<1x2xf32, #tpu.memory_space<vmem>>, vector<1x2xf32>
      %add3A_552 = vector.broadcast %get3A_551 : vector<1x2xf32> to vector<8x2xf32>
      %add3A_553 = arith.addf %dot_general3A_548, %add3A_552 : vector<8x2xf32>
      %swap3A_554 = arith.constant 0 : index
      %swap3A_555 = arith.constant 0 : index
      %swap3A_556 = vector.load %arg29[%swap3A_554, %swap3A_555] : memref<8x2xf32, #tpu.memory_space<vmem>>, vector<8x2xf32>
      tpu.vector_store %arg29[%swap3A_554, %swap3A_555], %add3A_553 {strides = array<i32>} : memref<8x2xf32, #tpu.memory_space<vmem>>, vector<8x2xf32>,
    } else {
    }
    return
  }
  func.func @transform_0(%arg0: i32) -> (i32, i32, i32) {
    %c0_i32 = arith.constant 0 : i32
    %c0_i32_0 = arith.constant 0 : i32
    %c0_i32_1 = arith.constant 0 : i32
    return %arg0, %c0_i32, %c0_i32_0 : i32, i32, i32
  }
  func.func @transform_1(%arg0: i32) -> (i32, i32, i32) {
    %c0_i32 = arith.constant 0 : i32
    %c0_i32_0 = arith.constant 0 : i32
    %c0_i32_1 = arith.constant 0 : i32
    return %arg0, %c0_i32, %c0_i32_0 : i32, i32, i32
  }
  func.func @transform_2(%arg0: i32) -> (i32, i32) {
    %c0_i32 = arith.constant 0 : i32
    %c0_i32_0 = arith.constant 0 : i32
    %c0_i32_1 = arith.constant 0 : i32
    return %c0_i32, %c0_i32_0 : i32, i32
  }
  func.func @transform_3(%arg0: i32) -> (i32, i32) {
    %c0_i32 = arith.constant 0 : i32
    %c0_i32_0 = arith.constant 0 : i32
    %c0_i32_1 = arith.constant 0 : i32
    return %c0_i32, %c0_i32_0 : i32, i32
  }
  func.func @transform_4(%arg0: i32) -> (i32, i32) {
    %c0_i32 = arith.constant 0 : i32
    %c0_i32_0 = arith.constant 0 : i32
    %c0_i32_1 = arith.constant 0 : i32
    return %c0_i32, %c0_i32_0 : i32, i32
  }
  func.func @transform_5(%arg0: i32) -> (i32, i32) {
    %c0_i32 = arith.constant 0 : i32
    %c0_i32_0 = arith.constant 0 : i32
    %c0_i32_1 = arith.constant 0 : i32
    return %c0_i32, %c0_i32_0 : i32, i32
  }
  func.func @transform_6(%arg0: i32) -> (i32, i32) {
    %c0_i32 = arith.constant 0 : i32
    %c0_i32_0 = arith.constant 0 : i32
    %c0_i32_1 = arith.constant 0 : i32
    return %c0_i32, %c0_i32_0 : i32, i32
  }
  func.func @transform_7(%arg0: i32) -> (i32, i32) {
    %c0_i32 = arith.constant 0 : i32
    %c0_i32_0 = arith.constant 0 : i32
    %c0_i32_1 = arith.constant 0 : i32
    return %c0_i32, %c0_i32_0 : i32, i32
  }
  func.func @transform_8(%arg0: i32) -> (i32, i32) {
    %c0_i32 = arith.constant 0 : i32
    %c0_i32_0 = arith.constant 0 : i32
    return %c0_i32, %arg0 : i32, i32
  }
  func.func @transform_9(%arg0: i32) -> (i32, i32) {
    %c0_i32 = arith.constant 0 : i32
    %c0_i32_0 = arith.constant 0 : i32
    return %c0_i32, %arg0 : i32, i32
  }
  func.func @transform_10(%arg0: i32) -> (i32, i32) {
    %c0_i32 = arith.constant 0 : i32
    %c0_i32_0 = arith.constant 0 : i32
    return %c0_i32, %arg0 : i32, i32
  }
  func.func @transform_11(%arg0: i32) -> (i32, i32) {
    %c0_i32 = arith.constant 0 : i32
    %c0_i32_0 = arith.constant 0 : i32
    %c0_i32_1 = arith.constant 0 : i32
    return %c0_i32, %c0_i32_0 : i32, i32
  }
  func.func @transform_12(%arg0: i32) -> (i32, i32) {
    %c0_i32 = arith.constant 0 : i32
    %c0_i32_0 = arith.constant 0 : i32
    %c0_i32_1 = arith.constant 0 : i32
    return %c0_i32, %c0_i32_0 : i32, i32
  }
  func.func @transform_13(%arg0: i32) -> (i32, i32) {
    %mul3A = arith.constant 2 : i32
    %mul3A_0 = arith.muli %mul3A, %arg0 : i32
    %c0_i32 = arith.constant 0 : i32
    %c0_i32_1 = arith.constant 0 : i32
    return %mul3A_0, %c0_i32 : i32, i32
  }
  func.func @transform_14(%arg0: i32) -> (i32, i32) {
    %mul3A = arith.constant 2 : i32
    %mul3A_0 = arith.muli %mul3A, %arg0 : i32
    %add3A = arith.constant 1 : i32
    %add3A_1 = arith.addi %mul3A_0, %add3A : i32
    %c0_i32 = arith.constant 0 : i32
    %c0_i32_2 = arith.constant 0 : i32
    return %add3A_1, %c0_i32 : i32, i32
  }
  func.func @transform_15(%arg0: i32) -> (i32, i32) {
    %c0_i32 = arith.constant 0 : i32
    %c0_i32_0 = arith.constant 0 : i32
    %c0_i32_1 = arith.constant 0 : i32
    return %c0_i32, %c0_i32_0 : i32, i32
  }
  func.func @transform_16(%arg0: i32) -> (i32, i32) {
    %c0_i32 = arith.constant 0 : i32
    %c0_i32_0 = arith.constant 0 : i32
    %c0_i32_1 = arith.constant 0 : i32
    return %c0_i32, %c0_i32_0 : i32, i32
  }
  func.func @transform_17(%arg0: i32) -> (i32, i32) {
    %c0_i32 = arith.constant 0 : i32
    %c0_i32_0 = arith.constant 0 : i32
    %c0_i32_1 = arith.constant 0 : i32
    return %c0_i32, %c0_i32_0 : i32, i32
  }
  func.func @transform_18(%arg0: i32) -> (i32, i32) {
    %c0_i32 = arith.constant 0 : i32
    %c0_i32_0 = arith.constant 0 : i32
    %c0_i32_1 = arith.constant 0 : i32
    return %c0_i32, %c0_i32_0 : i32, i32
  }
  func.func @transform_19(%arg0: i32) -> (i32, i32) {
    %c0_i32 = arith.constant 0 : i32
    %c0_i32_0 = arith.constant 0 : i32
    %c0_i32_1 = arith.constant 0 : i32
    return %c0_i32, %c0_i32_0 : i32, i32
  }
  func.func @transform_20(%arg0: i32) -> (i32, i32) {
    %c0_i32 = arith.constant 0 : i32
    %c0_i32_0 = arith.constant 0 : i32
    %c0_i32_1 = arith.constant 0 : i32
    return %c0_i32, %c0_i32_0 : i32, i32
  }
  func.func @transform_21(%arg0: i32) -> (i32, i32) {
    %c0_i32 = arith.constant 0 : i32
    %c0_i32_0 = arith.constant 0 : i32
    %c0_i32_1 = arith.constant 0 : i32
    return %c0_i32, %c0_i32_0 : i32, i32
  }
  func.func @transform_22(%arg0: i32) -> (i32, i32) {
    %c0_i32 = arith.constant 0 : i32
    %c0_i32_0 = arith.constant 0 : i32
    %c0_i32_1 = arith.constant 0 : i32
    return %c0_i32, %c0_i32_0 : i32, i32
  }
  func.func @transform_23(%arg0: i32) -> (i32, i32) {
    %c0_i32 = arith.constant 0 : i32
    %c0_i32_0 = arith.constant 0 : i32
    %c0_i32_1 = arith.constant 0 : i32
    return %c0_i32, %c0_i32_0 : i32, i32
  }
  func.func @transform_24(%arg0: i32) -> (i32, i32) {
    %c0_i32 = arith.constant 0 : i32
    %c0_i32_0 = arith.constant 0 : i32
    %c0_i32_1 = arith.constant 0 : i32
    return %c0_i32, %c0_i32_0 : i32, i32
  }
  func.func @transform_25(%arg0: i32) -> (i32, i32) {
    %c0_i32 = arith.constant 0 : i32
    %c0_i32_0 = arith.constant 0 : i32
    %c0_i32_1 = arith.constant 0 : i32
    return %c0_i32, %c0_i32_0 : i32, i32
  }
  func.func @transform_26(%arg0: i32) -> (i32, i32) {
    %c0_i32 = arith.constant 0 : i32
    %c0_i32_0 = arith.constant 0 : i32
    %c0_i32_1 = arith.constant 0 : i32
    return %c0_i32, %c0_i32_0 : i32, i32
  }
  func.func @transform_27(%arg0: i32) -> (i32, i32) {
    %c0_i32 = arith.constant 0 : i32
    %c0_i32_0 = arith.constant 0 : i32
    %c0_i32_1 = arith.constant 0 : i32
    return %c0_i32, %c0_i32_0 : i32, i32
  }
  func.func @transform_28(%arg0: i32) -> (i32, i32) {
    %c0_i32 = arith.constant 0 : i32
    %c0_i32_0 = arith.constant 0 : i32
    %c0_i32_1 = arith.constant 0 : i32
    return %c0_i32, %c0_i32_0 : i32, i32
  }
}

</mosaic_0001>

<sc_bundles>
// kernel: kernel.4.cloned.1.call-start
scs
__scs_entry_jumppad:
0x0: {  	(pc) =	sbr.rel $0x88, $3  }
0x1: {  	(tag) =	ssettag $0x0;
	lr =	simm.s32 $0x1  }
0x2: {  	[smem:$0x3F87] =	sst lr;
	_ =	strace $0xD0000000  }
0x3: {  	_ = 	snop  }
0x4: {  	_ = 	snop  }
0x5: {  	_ = 	snop  }
0x6: {  	_ = 	snop  }
0x7: {  	_ = 	snop  }
__scs_overlays_trampoline_lowered:
0x8: {  	[smem:$0x3F96] =	sst s0  }
0x9: {  	[smem:$0x3F97] =	sst s1  }
0xa: {  	[smem:$0x3F98] =	sst s2  }
0xb: {  	[smem:$0x3F99] =	sst s3  }
0xc: {  	[smem:$0x3F9A] =	sst s4  }
0xd: {  	[smem:$0x3F9B] =	sst s5  }
0xe: {  	[smem:$0x3F9C] =	sst s6  }
0xf: {  	[smem:$0x3F9D] =	sst s7  }
0x10: {  	[smem:$0x3F9E] =	sst s8  }
0x11: {  	[smem:$0x3F9F] =	sst s9;
	s0 =	simm.s32 @!p0 $0x0  }
0x12: {  	s1 =	sld [smem:$0x3F85];
	s0 =	simm.s32 @p0 $0x1  }
0x13: {  	[smem:$0x3FA0] =	sst s0;
	s0 =	simm.s32 @!p1 $0x0  }
0x14: {  	s2 =	sld [smem:$0x3F84];
	s0 =	simm.s32 @p1 $0x1  }
0x15: {  	[smem:$0x3FA1] =	sst s0;
	s0 =	simm.s32 @!p2 $0x0  }
0x16: {  	s3 =	sld [smem:$0x3FDB];
	s0 =	simm.s32 @p2 $0x1  }
0x17: {  	s4 =	simm.s32 $0x1BF5;
	[smem:$0x3FA3] =	sst s0  }
0x18: {  	s0 =	sld [smem:$0x3F86];
	_ =	swait.ge [sflag:s4], $0x0  }
0x19: {  	s7 =	sld [smem:$0x3F87]  }
0x1a: {  	s8 =	sadd.s32 $0xFFFFE003, lr  }
0x1b: {  	s9 =	sadd.s32 $0xFFFFFEF7, lr;
	s5 =	simm.s32 $0xFFFFFFFF;
	p2 =	slt.u32 s8, $0xFFFFF086  }
0x1c: {  	p1 =	slt.u32 s9, $0xF7A;
	s5 =	simm.s32 @!p2 $0x0  }
0x1d: {  	s5 =	simm.s32 @p1 $0x1;
	p0 =	seq.s32 s7, s2  }
0x1e: {  	s7 =	smul.u32 @!p0 $0xF7A, s2;
	p2 =	seq.s32 @!p0 s5, $0x0  }
0x1f: {  	s9 =	smul.u32 $0xF7A, s1;
	s8 =	simm.s32 @!p0 $0x1BF5;
	p2 =	por !p2, p0  }
0x20: {  	[sflag:s8] =	ssyncset.s32 @!p0 $0xFFFFF086;
	s6 =	sadd.s32 @!p0 s3, s7;
	s7 =	simm.s32 @!p0 $0x108  }
0x21: {  	s3 =	sadd.s32 s3, s9;
	s6 =	sadd.s32 @!p0 $0x88, s6;
	s7 =	simm.s32 @p2 $0x1082  }
0x22: {  	[simem:s7], [sflag:s8] =	dma.local @!p0 [hbm:s6], $0xF7A  }
0x23: {  	s9 =	sor.u32 $0xD0000000, s2;
	s6 =	simm.s32 $0x108;
	_ =	swait.ge @!p0 [sflag:s8], $0x0  }
0x24: {  	s3 =	sadd.s32 $0x88, s3;
	s6 =	simm.s32 @!p1 $0x1082;
	[sflag:s4] =	ssyncset.s32 $0xFFFFF086  }
0x25: {  	[simem:s6], [sflag:s4] =	dma.local [hbm:s3], $0xF7A  }
0x26: {  	[smem:$0x3F87] =	sst s1;
	(tag) =	ssettag s2;
	_ =	strace s9  }
0x27: {  	s1 =	sld [smem:$0x3F97]  }
0x28: {  	s2 =	sld [smem:$0x3F98]  }
0x29: {  	s4 =	sld [smem:$0x3F9A]  }
0x2a: {  	p0 =	seq.s32 s5, $0x0;
	s5 =	sld [smem:$0x3F9B]  }
0x2b: {  	s6 =	sld [smem:$0x3F9C]  }
0x2c: {  	s7 =	sld [smem:$0x3F9D]  }
0x2d: {  	s3 =	simm.s32 $0x108;
	s8 =	sld [smem:$0x3F9E]  }
0x2e: {  	s3 =	simm.s32 @!p0 $0x1082;
	s9 =	sld [smem:$0x3F9F]  }
0x2f: {  	lr =	sadd.s32 s0, s3;
	s0 =	sld [smem:$0x3F96]  }
0x30: {  	s3 =	sld [smem:$0x3F99]  }
0x31: {  	[smem:$0x3FA2] =	sst s10  }
0x32: {  	s10 =	sld [smem:$0x3FA0];
	_ =	sdelay $0x3  }
0x33: {  	p0 =	seq.s32 s10, $0x1;
	s10 =	sld [smem:$0x3FA2];
	_ =	sdelay $0x3  }
0x34: {  	[smem:$0x3FA2] =	sst s10  }
0x35: {  	s10 =	sld [smem:$0x3FA1];
	_ =	sdelay $0x3  }
0x36: {  	p1 =	seq.s32 s10, $0x1;
	s10 =	sld [smem:$0x3FA2];
	_ =	sdelay $0x3  }
0x37: {  	[smem:$0x3FA2] =	sst s10  }
0x38: {  	s10 =	sld [smem:$0x3FA3]  }
0x39: {  	_ = 	snop;
	(pc) =	sbr.ind lr, $3  }
0x3a: {  	_ = 	snop  }
0x3b: {  	_ = 	snop  }
0x3c: {  	p2 =	seq.s32 s10, $0x1;
	s10 =	sld [smem:$0x3FA2]  }
0x3d: {  	_ =	shalt  }
0x3e: {  	_ =	shalt  }
0x3f: {  	_ =	shalt  }
0x40: {  	_ =	shalt  }
0x41: {  	_ =	shalt  }
0x42: {  	_ =	shalt  }
0x43: {  	_ =	shalt  }
0x44: {  	_ =	shalt  }
0x45: {  	_ =	shalt  }
0x46: {  	_ =	shalt  }
0x47: {  	_ =	shalt  }
0x48: {  	_ =	shalt  }
0x49: {  	_ =	shalt  }
0x4a: {  	_ =	shalt  }
0x4b: {  	_ =	shalt  }
0x4c: {  	_ =	shalt  }
0x4d: {  	_ =	shalt  }
0x4e: {  	_ =	shalt  }
0x4f: {  	_ =	shalt  }
0x50: {  	_ =	shalt  }
0x51: {  	_ =	shalt  }
0x52: {  	_ =	shalt  }
0x53: {  	_ =	shalt  }
0x54: {  	_ =	shalt  }
0x55: {  	_ =	shalt  }
0x56: {  	_ =	shalt  }
0x57: {  	_ =	shalt  }
0x58: {  	_ =	shalt  }
0x59: {  	_ =	shalt  }
0x5a: {  	_ =	shalt  }
0x5b: {  	_ =	shalt  }
0x5c: {  	_ =	shalt  }
0x5d: {  	_ =	shalt  }
0x5e: {  	_ =	shalt  }
0x5f: {  	_ =	shalt  }
0x60: {  	_ =	shalt  }
0x61: {  	_ =	shalt  }
0x62: {  	_ =	shalt  }
0x63: {  	_ =	shalt  }
0x64: {  	_ =	shalt  }
0x65: {  	_ =	shalt  }
0x66: {  	_ =	shalt  }
0x67: {  	_ =	shalt  }
0x68: {  	_ =	shalt  }
0x69: {  	_ =	shalt  }
0x6a: {  	_ =	shalt  }
0x6b: {  	_ =	shalt  }
0x6c: {  	_ =	shalt  }
0x6d: {  	_ =	shalt  }
0x6e: {  	_ =	shalt  }
0x6f: {  	_ =	shalt  }
0x70: {  	_ =	shalt  }
0x71: {  	_ =	shalt  }
0x72: {  	_ =	shalt  }
0x73: {  	_ =	shalt  }
0x74: {  	_ =	shalt  }
0x75: {  	_ =	shalt  }
0x76: {  	_ =	shalt  }
0x77: {  	_ =	shalt  }
0x78: {  	_ =	shalt  }
0x79: {  	_ =	shalt  }
0x7a: {  	_ =	shalt  }
0x7b: {  	_ =	shalt  }
0x7c: {  	_ =	shalt  }
0x7d: {  	_ =	shalt  }
0x7e: {  	_ =	shalt  }
0x7f: {  	_ =	shalt  }
0x80: {  	_ =	shalt  }
0x81: {  	_ =	shalt  }
0x82: {  	_ =	shalt  }
0x83: {  	_ =	shalt  }
0x84: {  	_ =	shalt  }
0x85: {  	_ =	shalt  }
0x86: {  	_ =	shalt  }
0x87: {  	_ =	shalt  }
.Lfunc_end0:
.L_simem_size_0:
called_computation_lowered:
.L_overlay_start_0:
0x88: {  	s2 =	sld [smem:$0x3FD9]  }
0x89: {  	s3 =	sld [smem:$0x3FFE];
	_ =	sdelay $0x1  }
0x8a: {  	s1 =	srdreg.scid  }
0x8b: {  	s0 =	sand.u32 $0x1, s1  }
0x8c: {  	s16 =	sshll.u32 s0, $0xA;
	s2 =	sadd.s32 s3, s2  }
0x8d: {  	s2 =	sadd.s32 s2, s16  }
0x8e: {  	[smem:$0x3FAE] =	sst s2  }
0x8f: {  	_ = 	snop  }
0x90: {  	(tm) =	ssettm $0x1  }
0x91: {  	s17 =	sld [smem:$0x3FFB];
	_ =	sdelay $0x3  }
0x92: {  	_ =	strace s17  }
0x93: {  	s2 =	sld [smem:$0x3FFC];
	_ =	sdelay $0x3  }
0x94: {  	_ =	strace s2  }
0x95: {  	s2 =	sld [smem:$0x3FFD];
	_ =	sdelay $0x3  }
0x96: {  	_ =	strace s2  }
0x97: {  	_ =	strace $0x8FFFFFFF  }
0x98: {  	s18 =	sld [smem:$0x3FDB];
	_ =	sdelay $0x1  }
0x99: {  	s19 =	simm.s32 $_scs_section_size  }
0x9a: {  	s4 =	simm.s32 $_size__tile_overlayer_lowered;
	s5 =	simm.s32 $_tile_overlayer_lowered  }
0x9b: {  	s22 =	simm.s32 $0x1BFF;
	s21 =	sshll.u32 s5, $0x1;
	s2 =	sadd.s32 s19, s18  }
0x9c: {  	s6 =	simm.s32 $0x0;
	s20 =	sshll.u32 s4, $0x1;
	s4 =	sadd.s32 s21, s2  }
0x9d: {  	[timem:s6], [sflag:s22] =	dma.local [hbm:s4], s20  }
0x9e: {  	_ =	swait.ge [sflag:s22], s20  }
0x9f: {  	s3 =	ssub.s32 $0x0, s20;
	[sflag:s22] =	ssyncset.done $0x0  }
0xa0: {  	[sflag:s22] =	ssyncadd.s32 s3;
	_ =	sdelay $0x1  }
0xa1: {  	s23 =	simm.s32 $0x1B8B  }
0xa2: {  	_ =	swait.ge [sflag:s23], $0x1  }
0xa3: {  	[sflag:s23] =	ssyncset.done $0x0  }
0xa4: {  	s25 =	simm.s32 $0x1B8E;
	s24 =	sld [smem:$0x3FFE];
	[sflag:s23] =	ssyncadd.s32 $0xFFFFFFFF  }
0xa5: {  	s26 =	simm.s32 $execute0_lowered;
	[smem:$0x3FD2] =	sst s25  }
0xa6: {  	s4 =	sshll.u32 s26, $0x1;
	_ =	strace $0x80000046;
	[dreg:$0x1] =	wrdreg $0xFFFFFFFF  }
0xa7: {  	s28 =	simm.s32 $_size_execute0_lowered;
	s2 =	sadd.s32 s2, s4;
	[dreg:$0x0] =	wrdreg $0x0  }
0xa8: {  	s4 =	sshll.u32 s28, $0x1;
	[dreg:$0x2] =	wrdreg s2  }
0xa9: {  	[dreg:$0x3] =	wrdreg s4  }
0xaa: {  	[dreg:$0x4] =	wrdreg $0xC0  }
0xab: {  	_ =	task [dreg:s6], $0x5FFFF  }
0xac: {  	[dreg:$0x1] =	wrdreg $0xFFFFFFFF  }
0xad: {  	[dreg:$0x0] =	wrdreg $0x60  }
0xae: {  	[dreg:$0x2] =	wrdreg s24  }
0xaf: {  	[dreg:$0x3] =	wrdreg $0x9  }
0xb0: {  	_ =	task.clear_ibuf [dreg:s6], $0x4FFFF;
	_ =	strace $0x90000046  }
0xb1: {  	s29 =	simm.s32 $0x9;
	_ =	strace $0x80000048  }
0xb2: {  	_ =	swait.ge [sflag:s29], $0x1  }
0xb3: {  	[sflag:s29] =	ssyncadd.s32 $0xFFFFFFFF  }
0xb4: {  	_ =	strace $0x90000048  }
0xb5: {  	_ =	sfence  }
0xb6: {  	s30 =	sld [smem:$0x0];
	_ =	sdelay $0x2  }
0xb7: {  	s31 =	sshll.u32 s1, $0xD;
	s1 =	sshrl.u32 s1, $0x2  }
0xb8: {  	s3 =	sand.u32 $0x4000, s31;
	s1 =	sadd.s32 s1, s30  }
0xb9: {  	s0 =	sor.u32 s3, s0;
	s1 =	sshll.u32 s1, $0x11  }
0xba: {  	s0 =	sor.u32 s1, s0  }
0xbb: {  	s0 =	sadd.s32 $0x8F2B, s0  }
0xbc: {  	[sflag:s0] =	ssyncadd.remote.s32 $0x1  }
0xbd: {  	_ =	sfence.sel $0xFFFF  }
0xbe: {  	[dreg:$0x0] =	wrdreg $0xFFFFFFFF;
	(pc) =	sbr.abs _section_cstart, $3  }
0xbf: {  	[dreg:$0x1] =	wrdreg $0xFFFFFFFF  }
0xc0: {  	_ =	task.clear_ibuf [dreg:s6], $0x2FFFF;
	_ =	strace $0x9FFFFFFF  }
0xc1: {  	(tm) =	ssettm $0x7FFFFFFF  }
tec
execute0_lowered:
.L_overlay_start_1:
0x0: {  	(tag) =	ssettag $0x1  }
0x1: {  	s1 =	srdreg.scid  }
0x2: {  	s0 =	stileid.u32;
	s3 =	rddreg [dreg:$0x0]  }
0x3: {  	s2 =	simm.s32 $0x0;
	s8 =	simm.s32 $0x2D50;
	s11 =	simm.s32 $0x6200  }
0x4: {  	s12 =	simm.s32 $0x0;
	s4 =	sand.u32 $0x1, s1;
	s7 =	sshrl.u32 s0, $0x1  }
0x5: {  	s1 =	rddreg [dreg:$0x1];
	s10 =	sshrl.u32 s0, $0x2;
	s9 =	smul.u32 $0x9C40, s7  }
0x6: {  	s5 =	sshll.u32 s0, $0x1;
	[smem:$0x7FF] =	sst s2;
	s10 =	smul.u32 $0x9C00, s10  }
0x7: {  	s5 =	sor.u32 s4, s5;
	s7 =	smul.u32 $0x5400, s7;
	_ =	strace $0x80000047  }
0x8: {  	s4 =	ssub.s32 $0x2, s4;
	s6 =	sand.u32 $0x3, s5;
	s5 =	sshll.u32 s5, $0x7  }
0x9: {  	s31 =	sshrl.u32 s4, $0x1;
	p0 =	seq.s32 s6, $0x2;
	p1 =	seq.s32 s6, $0x1  }
0xa: {  	s5 =	sand.u32 $0x380, s5;
	s8 =	simm.s32 @!p0 $0x4D58;
	p0 =	seq.s32 s6, $0x0  }
0xb: {  	s6 =	smul.u32 $0x1370, s6;
	s5 =	sor.u32 s10, s5;
	s8 =	simm.s32 @p1 $0x1450  }
0xc: {  	s10 =	simm.s32 $0x4E80;
	s5 =	sshrl.u32 s5, $0x3;
	s8 =	simm.s32 @p0 $0x0  }
0xd: {  	s6 =	sadd.s32 s7, s6;
	s5 =	sadd.s32 s5, s3;
	s7 =	ssub.s32 s4, s31  }
0xe: {  	s8 =	sadd.s32 s9, s8;
	s6 =	sshrl.u32 s6, $0x3;
	s4 =	sadd.s32 $0xD600, s5  }
0xf: {  	s9 =	simm.s32 $0x400;
	s8 =	sshrl.u32 s8, $0x3;
	s6 =	sadd.s32 s6, s3  }
0x10: {  	s8 =	sadd.s32 s8, s3;
	s5 =	sadd.s32 $0x12400, s6;
	s6 =	smax.u32 s7, $0x1  }
0x11: {  	s7 =	simm.s32 $0x1;
	s3 =	sadd.s32 $0x3800, s8;
	s8 =	simm.s32 $0x80  }
.LBB2_1:
0x12: {  	[tilespmem:s2], [sflag:$0x1] =	stream.linear.gather [hbm4b:s3+s2], $0x4E20, $0x38;
	[tilespmem:$0x7580] =	vst v63  }
0x13: {  	_ =	swait.ge [sflag:s7], $0x4E20  }
0x14: {  	[sflag:s7] =	ssyncset.done $0x0  }
0x15: {  	[sflag:s7] =	ssyncadd.s32 $0xFFFFB1E0  }
0x16: {  	[tilespmem:s10], [sflag:$0x1] =	stream.strided.gather [hbm4b:s4+s8], $0x1380, s9, s8, $0x38;
	[tilespmem:$0x7580] =	vst v63  }
0x17: {  	_ =	swait.ge [sflag:s7], $0x1380  }
0x18: {  	[sflag:s7] =	ssyncset.done $0x0  }
0x19: {  	s13 =	simm.s32 $0x0;
	[sflag:s7] =	ssyncadd.s32 $0xFFFFEC80  }
0x1a: {  	v0 =	vld [tilespmem:s13+$0x4E80];
	_ =	sdelay $0x5  }
0x1b: {  	v1 =	vld [tilespmem:s13+$0x4E90];
	_ =	sdelay $0x1  }
0x1c: {  	v0 =	vld.idx.msk [tilespmem:v0+s2+$0x0], $0xffff;
	_ =	sdelay $0x4  }
0x1d: {  	v2 =	vld [tilespmem:s13+$0x4EA0];
	[tilespmem:s13+$0x6200] =	vst v0  }
0x1e: {  	v0 =	vld.idx.msk [tilespmem:v1+s2+$0x0], $0xffff;
	_ =	sdelay $0x4  }
0x1f: {  	[tilespmem:s13+$0x6210] =	vst v0;
	v0 =	vld [tilespmem:s13+$0x4EB0];
	_ =	sdelay $0x1  }
0x20: {  	v1 =	vld.idx.msk [tilespmem:v2+s2+$0x0], $0xffff;
	_ =	sdelay $0x3  }
0x21: {  	s15 =	simm.s32 $0x40;
	s14 =	simm.s32 $0x200  }
.LBB2_2:
0x22: {  	p0 =	sne.s32 s14, $0x4D00;
	v2 =	vld [tilespmem:s15+$0x4E80];
	[tilespmem:s13+$0x6220] =	vst v1  }
0x23: {  	v0 =	vld.idx.msk [tilespmem:v0+s2+$0x0], $0xffff;
	_ =	sdelay $0x5  }
0x24: {  	v1 =	vld [tilespmem:s15+$0x4E90];
	[tilespmem:s13+$0x6230] =	vst v0;
	s13 =	smov.u32 s15  }
0x25: {  	v0 =	vld.idx.msk [tilespmem:v2+s2+$0x0], $0xffff;
	_ =	sdelay $0x5  }
0x26: {  	[tilespmem:s13+$0x6200] =	vst v0;
	v2 =	vld [tilespmem:s13+$0x4EA0]  }
0x27: {  	v0 =	vld.idx.msk [tilespmem:v1+s2+$0x0], $0xffff;
	_ =	sdelay $0x5  }
0x28: {  	[tilespmem:s13+$0x6210] =	vst v0;
	v0 =	vld [tilespmem:s13+$0x4EB0]  }
0x29: {  	v1 =	vld.idx.msk [tilespmem:v2+s2+$0x0], $0xffff  }
.Ltmp0:
0x2a: {  	(pc) =	sbr.rel @p0 .LBB2_2-.Ltmp0, $2  }
0x2b: {  	_ =	sdelay $0x2  }
0x2c: {  	s15 =	sshra.s32 s14, $0x2;
	s14 =	sadd.s32 $0x100, s14  }
0x2d: {  	_ =	sdelay $0x1  }
0x2e: {  	v2 =	vld [tilespmem:s15+$0x4E80]  }
0x2f: {  	[tilespmem:s13+$0x6220] =	vst v1  }
0x30: {  	v0 =	vld.idx.msk [tilespmem:v0+s2+$0x0], $0xffff;
	_ =	sdelay $0x3  }
0x31: {  	v1 =	vld [tilespmem:s15+$0x4E90]  }
0x32: {  	[tilespmem:s13+$0x6230] =	vst v0  }
0x33: {  	v0 =	vld.idx.msk [tilespmem:v2+s2+$0x0], $0xffff;
	_ =	sdelay $0x3  }
0x34: {  	v62 =	vld [tilespmem:s15+$0x4EA0]  }
0x35: {  	[tilespmem:s15+$0x6200] =	vst v0  }
0x36: {  	v1 =	vld.idx.msk [tilespmem:v1+s2+$0x0], $0xffff;
	_ =	sdelay $0x3  }
0x37: {  	v63 =	vld [tilespmem:s15+$0x4EB0]  }
0x38: {  	[tilespmem:s15+$0x6210] =	vst v1  }
0x39: {  	v0 =	vld.idx.msk [tilespmem:v62+s2+$0x0], $0xffff;
	_ =	sdelay $0x4  }
0x3a: {  	[tilespmem:s15+$0x6220] =	vst v0  }
0x3b: {  	v0 =	vld.idx.msk [tilespmem:v63+s2+$0x0], $0xffff;
	_ =	sdelay $0x2  }
0x3c: {  	s12 =	sadd.s32 $0x1, s12  }
0x3d: {  	p0 =	sne.s32 s12, s6  }
.Ltmp1:
0x3e: {  	[tilespmem:s15+$0x6230] =	vst v0;
	(pc) =	sbr.rel @p0 .LBB2_1-.Ltmp1, $4  }
0x3f: {  	[hbm4b:s5+s2] =	stream.linear.scatter [tilespmem:s11], [sflag:$0x1], $0x1370, $0x38;
	[tilespmem:$0x7580] =	vst v63  }
0x40: {  	_ =	swait.ge [sflag:s7], $0x1370  }
0x41: {  	[sflag:s7] =	ssyncset.done $0x0  }
0x42: {  	[sflag:s7] =	ssyncadd.s32 $0xFFFFEC90  }
0x43: {  	_ =	sfence.sel $0x180000  }
0x44: {  	[bflag:$0x0] =	sbarrier.arrive $0xFFFF  }
0x45: {  	p0 =	sne.s32 s0, $0x0;
	_ =	strace $0x90000047  }
0x46: {  	s0 =	sadd.s32 @!p0 $0x100000, s1;
	[bflag:$0x2] =	sbarrier.arrive $0xFFFF  }
0x47: {  	[sflag:s0] =	ssyncadd.tile.s32 @!p0 $0x1;
	_ =	shalt  }
.Lfunc_end2:
_tile_overlayer_lowered:
.L_overlay_start_2:
0x48: {  	(tag) =	ssettag $0x2  }
0x49: {  	s0 =	rddreg [dreg:$0x0];
	s2 =	stileid.u32  }
0x4a: {  	s1 =	rddreg [dreg:$0x1];
	p0 =	sne.s32 s2, $0x0  }
0x4b: {  	s3 =	rddreg [dreg:$0x2];
	[bflag:$0x3] =	sbarrier.arrive $0xFFFF;
	s2 =	simm.s32 @!p0 $0x1C01  }
0x4c: {  	[timem:s3], [sflag:s2] =	dma.local @!p0 [hbm:s0], s1  }
0x4d: {  	s0 =	simm.s32 @!p0 $0x1  }
0x4e: {  	_ =	swait.ge @!p0 [sflag:s0], s1  }
0x4f: {  	s1 =	ssub.s32 @!p0 $0x0, s1;
	[sflag:s0] =	ssyncset.done @!p0 $0x0  }
0x50: {  	[sflag:s0] =	ssyncadd.s32 @!p0 s1  }
0x51: {  	[bflag:$0x3] =	sbarrier.arrive $0xFFFF  }
0x52: {  	_ =	shalt  }

</sc_bundles>
